<compile_context>
chip_gen: v7x
topology: tpu7x:2x2x1
jax: 0.10.2.dev20260603
libtpu: 0.0.44.dev20260713+nightly
codegen_flags: <defaults>
</compile_context>

<pallas_src>
import functools

import jax
import jax.numpy as jnp
from jax import lax
from jax.experimental import pallas as pl
from jax.experimental.pallas import tpu as pltpu
from jax.experimental.pallas import tpu_sc as plsc

B, C, H, W = 4, 20, 512, 512
PLANE = H * W
N_TOTAL = B * PLANE
NB = 2048
HIST = 2 * NB
NWORKERS = 32
ROWS = H // NWORKERS
VPR = W // 16


def _phase1_hist(probas, labels):
    mesh = plsc.VectorSubcoreMesh(core_axis_name="c", subcore_axis_name="s")

    @functools.partial(
        pl.kernel,
        mesh=mesh,
        out_type=jax.ShapeDtypeStruct((NWORKERS, C, HIST), jnp.float32),
        scratch_types=[
            pltpu.VMEM((B, ROWS, W), jnp.int32),
            pltpu.VMEM((B, ROWS, W), jnp.float32),
            pltpu.VMEM((B, ROWS, W), jnp.float32),
            pltpu.VMEM((HIST,), jnp.float32),
            pltpu.VMEM((HIST,), jnp.float32),
            pltpu.SemaphoreType.DMA,
            pltpu.SemaphoreType.DMA,
            pltpu.SemaphoreType.DMA,
            pltpu.SemaphoreType.DMA,
        ],
        compiler_params=pltpu.CompilerParams(needs_layout_passes=False),
    )
    def k(probas_hbm, labels_hbm, out_hbm, lbl_v, pbuf_a, pbuf_b, hist_a,
          hist_b, sem_pa, sem_pb, sem_fa, sem_fb):
        wid = lax.axis_index("s") * 2 + lax.axis_index("c")
        row0 = wid * ROWS
        pltpu.sync_copy(labels_hbm.at[:, pl.ds(row0, ROWS), :], lbl_v)
        ones = jnp.ones((16,), jnp.float32)
        zeros16 = jnp.zeros((16,), jnp.float32)
        nbf = jnp.float32(NB * (1.0 - 2.0**-22))
        mirror = jnp.full((16,), HIST - 1, jnp.int32)
        nvec = B * ROWS * VPR

        def prefetch(c, buf, sem):
            pltpu.async_copy(probas_hbm.at[:, c, pl.ds(row0, ROWS), :], buf,
                             sem)

        def wait_prefetch(buf, sem):
            pltpu.make_async_copy(
                probas_hbm.at[:, 0, pl.ds(row0, ROWS), :], buf, sem).wait()

        def wait_flush(hist, sem):
            pltpu.make_async_copy(hist, out_hbm.at[wid, 0], sem).wait()

        def zero(hist):
            @plsc.parallel_loop(0, HIST // 16, unroll=8)
            def zbody(i):
                hist[pl.ds(i * 16, 16)] = zeros16

        def compute(c, pbuf, hist):
            @plsc.parallel_loop(0, nvec, unroll=8)
            def vbody(i):
                b = lax.shift_right_logical(i, 9)
                r = jnp.bitwise_and(lax.shift_right_logical(i, 5), ROWS - 1)
                col = lax.shift_left(jnp.bitwise_and(i, 31), 4)
                p = pbuf[b, r, pl.ds(col, 16)]
                lb = lbl_v[b, r, pl.ds(col, 16)]
                bi = (p * nbf).astype(jnp.int32)
                idx = jnp.where(lb == c, mirror - bi, bi)
                plsc.addupdate_scatter(hist, [idx], ones)
            pltpu.async_copy(hist, out_hbm.at[wid, c],
                             sem_fa if hist is hist_a else sem_fb)

        prefetch(0, pbuf_a, sem_pa)
        wait_prefetch(pbuf_a, sem_pa)
        prefetch(1, pbuf_b, sem_pb)
        zero(hist_a)
        compute(0, pbuf_a, hist_a)
        wait_prefetch(pbuf_b, sem_pb)
        prefetch(2, pbuf_a, sem_pa)
        zero(hist_b)
        compute(1, pbuf_b, hist_b)

        def pair_body(cc, carry):
            c0 = 2 * cc
            wait_prefetch(pbuf_a, sem_pa)
            prefetch(c0 + 1, pbuf_b, sem_pb)
            wait_flush(hist_a, sem_fa)
            zero(hist_a)
            compute(c0, pbuf_a, hist_a)
            wait_prefetch(pbuf_b, sem_pb)
            prefetch(jnp.minimum(c0 + 2, C - 1), pbuf_a, sem_pa)
            wait_flush(hist_b, sem_fb)
            zero(hist_b)
            compute(c0 + 1, pbuf_b, hist_b)
            return carry

        lax.fori_loop(1, C // 2, pair_body, 0)
        wait_prefetch(pbuf_a, sem_pa)
        wait_flush(hist_a, sem_fa)
        wait_flush(hist_b, sem_fb)

    return k(probas, labels)


def _phase2_loss(partials):
    def body(x_ref, o_ref):
        h = jnp.sum(x_ref[...], axis=0)
        g = h[:, NB:]
        n = h[:, :NB] + g

        def incl_cumsum(x):
            s = 1
            while s < NB:
                shifted = jnp.concatenate(
                    [jnp.zeros((C, s), jnp.float32), x[:, : NB - s]], axis=1
                )
                x = x + shifted
                s *= 2
            return x

        an = incl_cumsum(n)
        ag = incl_cumsum(g)
        gtot = ag[:, NB - 1 :]
        nab = jnp.float32(N_TOTAL) - an
        pab = gtot - ag
        qab = nab - pab
        qk = n - g
        d0 = jnp.maximum(gtot + qab, 1.0)
        d1 = jnp.maximum(d0 + qk, 1.0)
        kidx = lax.broadcasted_iota(jnp.int32, (C, NB), 1)
        v = (kidx.astype(jnp.float32) + 0.5) * jnp.float32(1.0 / NB)
        contrib = v * (g / d0 + (gtot - pab - g) * (1.0 / d0 - 1.0 / d1))
        loss_c = jnp.sum(contrib, axis=1, keepdims=True)
        emax_c = jnp.max(jnp.where(n > 0, v, 0.0), axis=1, keepdims=True)
        loss_c = jnp.where(gtot > 0, loss_c, emax_c)
        o_ref[...] = jnp.sum(loss_c, axis=0, keepdims=True) * jnp.float32(1.0 / C)

    return pl.pallas_call(
        body,
        out_shape=jax.ShapeDtypeStruct((1, 1), jnp.float32),
    )(partials)


def kernel(probas, labels):
    partials = _phase1_hist(probas, labels.astype(jnp.int32))
    loss = _phase2_loss(partials)
    return loss.reshape(())

# --- scband reference (transcript-rebuilt; emitter-appended) ---
"""Pipeline reference for scband-lovasz-softmax-13486197310121 (READ-ONLY COPY).

The authoritative reference and input builder live on the scoring server;
editing this copy changes nothing except your own understanding.
"""

import jax, jax.numpy as jnp
import numpy as np


def _lovasz_grad(fg_sorted):
    gts = fg_sorted.sum()
    intersection = gts - jnp.cumsum(fg_sorted)
    union = gts + jnp.cumsum(1.0 - fg_sorted)
    jaccard = 1.0 - intersection / union
    jaccard = jnp.concatenate([jaccard[:1], jaccard[1:] - jaccard[:-1]])
    return jaccard


def _lovasz_softmax_flat_all(probas, labels):
    # classes='all': loop over every class
    C = probas.shape[1]
    losses = []
    for c in range(C):
        fg = (labels == c).astype(jnp.float32)
        class_pred = probas[:, c]
        errors = jnp.abs(fg - class_pred)
        perm = jnp.argsort(-errors)  # descending sort
        errors_sorted = errors[perm]
        fg_sorted = fg[perm]
        grad = _lovasz_grad(fg_sorted)
        losses.append(jnp.dot(errors_sorted, grad))
    return jnp.stack(losses).mean()


def setup_inputs(seed: int = 0) -> dict:
    key = jax.random.key(seed)
    k1, k2 = jax.random.split(key)
    probas = jax.random.uniform(k1, (4, 20, 512, 512), dtype=jnp.float32)
    labels = jax.random.randint(k2, (4, 512, 512), 0, 20, dtype=jnp.int64)
    return {"probas": probas, "labels": labels}


def reference(probas, labels):
    # modality='range', per_image=False, ignore=None, classes='all'
    B, C, H, W = probas.shape
    flat_probas = jnp.transpose(probas, (0, 2, 3, 1)).reshape(-1, C)
    flat_labels = labels.reshape(-1)
    return _lovasz_softmax_flat_all(flat_probas, flat_labels)

if __name__ == "__main__":
    import jax
    _d = setup_inputs()
    print(jax.jit(kernel)(*tuple(_d.values())))

</pallas_src>

<mosaic_0001>
#map = affine_map<(d0, d1) -> (0, 0, 0, 0)>
#map1 = affine_map<(d0, d1) -> (0, 0, 0)>
module attributes {stable_mosaic.version = 14 : i64} {
  func.func @k(%arg0: i32, %arg1: i32, %arg2: memref<4x20x512x512xf32, #tpu.memory_space<hbm>>, %arg3: memref<4x512x512xi32, #tpu.memory_space<hbm>>, %arg4: memref<32x20x4096xf32, #tpu.memory_space<hbm>>, %arg5: memref<4x16x512xi32, #tpu.memory_space<vmem>>, %arg6: memref<4x16x512xf32, #tpu.memory_space<vmem>>, %arg7: memref<4x16x512xf32, #tpu.memory_space<vmem>>, %arg8: memref<4096xf32, #tpu.memory_space<vmem>>, %arg9: memref<4096xf32, #tpu.memory_space<vmem>>, %arg10: memref<!tpu.dma_semaphore, #tpu.memory_space<semaphore_mem>>, %arg11: memref<!tpu.dma_semaphore, #tpu.memory_space<semaphore_mem>>, %arg12: memref<!tpu.dma_semaphore, #tpu.memory_space<semaphore_mem>>, %arg13: memref<!tpu.dma_semaphore, #tpu.memory_space<semaphore_mem>>) attributes {dimension_semantics = [#tpu.dimension_semantics<core_parallel>, #tpu.dimension_semantics<subcore_parallel>], iteration_bounds = array<i64: 2, 16>, scalar_prefetch = 0 : i64, scratch_operands = 9 : i64, tpu.core_type = #tpu.core_type<sc_vector_subcore>, window_params = [{transform_indices = #map}, {transform_indices = #map1}, {transform_indices = #map1}]} {
    %mul3A = arith.constant 2 : i32
    %mul3A_0 = arith.muli %arg1, %mul3A : i32
    %add3A = arith.addi %mul3A_0, %arg0 : i32
    %mul3A_1 = arith.constant 16 : i32
    %mul3A_2 = arith.muli %add3A, %mul3A_1 : i32
    "tpu.region"() ({
      %run_scoped3A = tpu.sem_alloc : memref<!tpu.dma_semaphore, #tpu.memory_space<semaphore_mem>>
      %dma_start3A_107 = arith.constant 0 : i32
      %dma_start3A_108 = arith.constant 0 : i32
      %dma_start3A_109 = tpu.memref_slice %arg3[%dma_start3A_107, %mul3A_2, %dma_start3A_108] : memref<4x512x512xi32, #tpu.memory_space<hbm>> -> memref<4x16x512xi32, #tpu.memory_space<hbm>>
      %dma_start3A_110 = arith.constant 0 : i32
      %dma_start3A_111 = arith.constant 0 : i32
      %dma_start3A_112 = tpu.memref_slice %arg3[%dma_start3A_110, %mul3A_2, %dma_start3A_111] : memref<4x512x512xi32, #tpu.memory_space<hbm>> -> memref<4x16x512xi32, #tpu.memory_space<hbm>>
      tpu.enqueue_dma source(%dma_start3A_112 : memref<4x16x512xi32, #tpu.memory_space<hbm>>) target(%arg5 : memref<4x16x512xi32, #tpu.memory_space<vmem>>) target_semaphore(%run_scoped3A : memref<!tpu.dma_semaphore, #tpu.memory_space<semaphore_mem>>)
      %dma_wait3A_113 = arith.constant 0 : i32
      %dma_wait3A_114 = arith.constant 0 : i32
      %dma_wait3A_115 = tpu.memref_slice %arg3[%dma_wait3A_113, %mul3A_2, %dma_wait3A_114] : memref<4x512x512xi32, #tpu.memory_space<hbm>> -> memref<4x16x512xi32, #tpu.memory_space<hbm>>
      %dma_wait3A_116 = arith.constant 0 : i32
      %dma_wait3A_117 = arith.constant 0 : i32
      %dma_wait3A_118 = tpu.memref_slice %arg3[%dma_wait3A_116, %mul3A_2, %dma_wait3A_117] : memref<4x512x512xi32, #tpu.memory_space<hbm>> -> memref<4x16x512xi32, #tpu.memory_space<hbm>>
      tpu.wait_dma2 semaphore(%run_scoped3A : memref<!tpu.dma_semaphore, #tpu.memory_space<semaphore_mem>>) src(%dma_wait3A_118 : memref<4x16x512xi32, #tpu.memory_space<hbm>>) dst(%arg5 : memref<4x16x512xi32, #tpu.memory_space<vmem>>)
      tpu.yield
    }) : () -> ()
    %broadcast_in_dim3A = arith.constant 1.000000e+00 : f32
    %broadcast_in_dim3A_3 = vector.broadcast %broadcast_in_dim3A : f32 to vector<16xf32>
    %broadcast_in_dim3A_4 = arith.constant 0.000000e+00 : f32
    %broadcast_in_dim3A_5 = vector.broadcast %broadcast_in_dim3A_4 : f32 to vector<16xf32>
    %broadcast_in_dim3A_6 = arith.constant 4095 : i32
    %broadcast_in_dim3A_7 = vector.broadcast %broadcast_in_dim3A_6 : i32 to vector<16xi32>
    %dma_start3A = arith.constant 0 : i32
    %dma_start3A_8 = arith.constant 0 : i32
    %dma_start3A_9 = arith.constant 0 : i32
    %dma_start3A_10 = tpu.memref_slice %arg2[%dma_start3A_8, %dma_start3A, %mul3A_2, %dma_start3A_9] : memref<4x20x512x512xf32, #tpu.memory_space<hbm>> -> memref<4x1x16x512xf32, #tpu.memory_space<hbm>>
    %dma_start3A_11 = tpu.memref_squeeze %dma_start3A_10 : memref<4x1x16x512xf32, #tpu.memory_space<hbm>> -> memref<4x16x512xf32, #tpu.memory_space<hbm>>
    %dma_start3A_12 = arith.constant 0 : i32
    %dma_start3A_13 = arith.constant 0 : i32
    %dma_start3A_14 = tpu.memref_slice %arg2[%dma_start3A_12, %dma_start3A, %mul3A_2, %dma_start3A_13] : memref<4x20x512x512xf32, #tpu.memory_space<hbm>> -> memref<4x1x16x512xf32, #tpu.memory_space<hbm>>
    %dma_start3A_15 = tpu.memref_squeeze %dma_start3A_14 : memref<4x1x16x512xf32, #tpu.memory_space<hbm>> -> memref<4x16x512xf32, #tpu.memory_space<hbm>>
    tpu.enqueue_dma source(%dma_start3A_15 : memref<4x16x512xf32, #tpu.memory_space<hbm>>) target(%arg6 : memref<4x16x512xf32, #tpu.memory_space<vmem>>) target_semaphore(%arg10 : memref<!tpu.dma_semaphore, #tpu.memory_space<semaphore_mem>>)
    %dma_wait3A = arith.constant 0 : i32
    %dma_wait3A_16 = arith.constant 0 : i32
    %dma_wait3A_17 = arith.constant 0 : i32
    %dma_wait3A_18 = tpu.memref_slice %arg2[%dma_wait3A_16, %dma_wait3A, %mul3A_2, %dma_wait3A_17] : memref<4x20x512x512xf32, #tpu.memory_space<hbm>> -> memref<4x1x16x512xf32, #tpu.memory_space<hbm>>
    %dma_wait3A_19 = tpu.memref_squeeze %dma_wait3A_18 : memref<4x1x16x512xf32, #tpu.memory_space<hbm>> -> memref<4x16x512xf32, #tpu.memory_space<hbm>>
    %dma_wait3A_20 = arith.constant 0 : i32
    %dma_wait3A_21 = arith.constant 0 : i32
    %dma_wait3A_22 = tpu.memref_slice %arg2[%dma_wait3A_20, %dma_wait3A, %mul3A_2, %dma_wait3A_21] : memref<4x20x512x512xf32, #tpu.memory_space<hbm>> -> memref<4x1x16x512xf32, #tpu.memory_space<hbm>>
    %dma_wait3A_23 = tpu.memref_squeeze %dma_wait3A_22 : memref<4x1x16x512xf32, #tpu.memory_space<hbm>> -> memref<4x16x512xf32, #tpu.memory_space<hbm>>
    tpu.wait_dma2 semaphore(%arg10 : memref<!tpu.dma_semaphore, #tpu.memory_space<semaphore_mem>>) src(%dma_wait3A_23 : memref<4x16x512xf32, #tpu.memory_space<hbm>>) dst(%arg6 : memref<4x16x512xf32, #tpu.memory_space<vmem>>)
    %dma_start3A_24 = arith.constant 1 : i32
    %dma_start3A_25 = arith.constant 0 : i32
    %dma_start3A_26 = arith.constant 0 : i32
    %dma_start3A_27 = tpu.memref_slice %arg2[%dma_start3A_25, %dma_start3A_24, %mul3A_2, %dma_start3A_26] : memref<4x20x512x512xf32, #tpu.memory_space<hbm>> -> memref<4x1x16x512xf32, #tpu.memory_space<hbm>>
    %dma_start3A_28 = tpu.memref_squeeze %dma_start3A_27 : memref<4x1x16x512xf32, #tpu.memory_space<hbm>> -> memref<4x16x512xf32, #tpu.memory_space<hbm>>
    %dma_start3A_29 = arith.constant 0 : i32
    %dma_start3A_30 = arith.constant 0 : i32
    %dma_start3A_31 = tpu.memref_slice %arg2[%dma_start3A_29, %dma_start3A_24, %mul3A_2, %dma_start3A_30] : memref<4x20x512x512xf32, #tpu.memory_space<hbm>> -> memref<4x1x16x512xf32, #tpu.memory_space<hbm>>
    %dma_start3A_32 = tpu.memref_squeeze %dma_start3A_31 : memref<4x1x16x512xf32, #tpu.memory_space<hbm>> -> memref<4x16x512xf32, #tpu.memory_space<hbm>>
    tpu.enqueue_dma source(%dma_start3A_32 : memref<4x16x512xf32, #tpu.memory_space<hbm>>) target(%arg7 : memref<4x16x512xf32, #tpu.memory_space<vmem>>) target_semaphore(%arg11 : memref<!tpu.dma_semaphore, #tpu.memory_space<semaphore_mem>>)
    %parallel_loop3A = arith.constant 0 : i32
    %parallel_loop3A_33 = arith.constant 256 : i32
    %parallel_loop3A_34 = arith.constant 1 : i32
    scf.for %parallel_loop3A_107 = %parallel_loop3A to %parallel_loop3A_33 step %parallel_loop3A_34  : i32 {
      %parallel_loop3A_108 = arith.constant 16 : i32
      %parallel_loop3A_109 = arith.muli %parallel_loop3A_107, %parallel_loop3A_108 : i32
      %parallel_loop3A_110 = arith.index_cast %parallel_loop3A_109 : i32 to index
      %parallel_loop3A_111 = tpu.vector_load %arg8[%parallel_loop3A_110] {strides = array<i32>} : memref<4096xf32, #tpu.memory_space<vmem>>, vector<16xf32>,
      tpu.vector_store %arg8[%parallel_loop3A_110], %broadcast_in_dim3A_5 {strides = array<i32>} : memref<4096xf32, #tpu.memory_space<vmem>>, vector<16xf32>,
    } {sc.loop_unroll_factor = 8 : i64, sc.parallel_access}
    %parallel_loop3A_35 = arith.constant 0 : i32
    %parallel_loop3A_36 = arith.constant 2048 : i32
    %parallel_loop3A_37 = arith.constant 1 : i32
    %parallel_loop3A_38 = arith.constant 2047.99951 : f32
    scf.for %parallel_loop3A_107 = %parallel_loop3A_35 to %parallel_loop3A_36 step %parallel_loop3A_37  : i32 {
      %parallel_loop3A_108 = arith.constant 9 : i32
      %parallel_loop3A_109 = arith.shrui %parallel_loop3A_107, %parallel_loop3A_108 : i32
      %parallel_loop3A_110 = arith.constant 5 : i32
      %parallel_loop3A_111 = arith.shrui %parallel_loop3A_107, %parallel_loop3A_110 : i32
      %parallel_loop3A_112 = arith.constant 15 : i32
      %parallel_loop3A_113 = arith.andi %parallel_loop3A_111, %parallel_loop3A_112 : i32
      %parallel_loop3A_114 = arith.constant 31 : i32
      %parallel_loop3A_115 = arith.andi %parallel_loop3A_107, %parallel_loop3A_114 : i32
      %parallel_loop3A_116 = arith.constant 4 : i32
      %parallel_loop3A_117 = arith.shli %parallel_loop3A_115, %parallel_loop3A_116 : i32
      %parallel_loop3A_118 = arith.index_cast %parallel_loop3A_109 : i32 to index
      %parallel_loop3A_119 = arith.index_cast %parallel_loop3A_113 : i32 to index
      %parallel_loop3A_120 = arith.index_cast %parallel_loop3A_117 : i32 to index
      %parallel_loop3A_121 = tpu.vector_load %arg6[%parallel_loop3A_118, %parallel_loop3A_119, %parallel_loop3A_120] {strides = array<i32>} : memref<4x16x512xf32, #tpu.memory_space<vmem>>, vector<16xf32>,
      %parallel_loop3A_122 = arith.index_cast %parallel_loop3A_109 : i32 to index
      %parallel_loop3A_123 = arith.index_cast %parallel_loop3A_113 : i32 to index
      %parallel_loop3A_124 = arith.index_cast %parallel_loop3A_117 : i32 to index
      %parallel_loop3A_125 = tpu.vector_load %arg5[%parallel_loop3A_122, %parallel_loop3A_123, %parallel_loop3A_124] {strides = array<i32>} : memref<4x16x512xi32, #tpu.memory_space<vmem>>, vector<16xi32>,
      %parallel_loop3A_126 = vector.broadcast %parallel_loop3A_38 : f32 to vector<16xf32>
      %parallel_loop3A_127 = arith.mulf %parallel_loop3A_121, %parallel_loop3A_126 : vector<16xf32>
      %parallel_loop3A_128 = arith.fptosi %parallel_loop3A_127 : vector<16xf32> to vector<16xi32>
      %parallel_loop3A_129 = arith.constant 0 : i32
      %parallel_loop3A_130 = vector.broadcast %parallel_loop3A_129 : i32 to vector<16xi32>
      %parallel_loop3A_131 = arith.cmpi eq, %parallel_loop3A_125, %parallel_loop3A_130 : vector<16xi32>
      %parallel_loop3A_132 = arith.subi %broadcast_in_dim3A_7, %parallel_loop3A_128 : vector<16xi32>
      %parallel_loop3A_133 = arith.select %parallel_loop3A_131, %parallel_loop3A_132, %parallel_loop3A_128 : vector<16xi1>, vector<16xi32>
      tpu.vector_store_idx %arg8[%parallel_loop3A_133], %broadcast_in_dim3A_3 {add = true} : memref<4096xf32, #tpu.memory_space<vmem>>[vector<16xi32>], vector<16xf32>,
    } {sc.loop_unroll_factor = 8 : i64, sc.parallel_access}
    %dma_start3A_39 = arith.constant 0 : i32
    %dma_start3A_40 = arith.constant 0 : i32
    %dma_start3A_41 = tpu.memref_slice %arg4[%add3A, %dma_start3A_39, %dma_start3A_40] : memref<32x20x4096xf32, #tpu.memory_space<hbm>> -> memref<1x1x4096xf32, #tpu.memory_space<hbm>>
    %dma_start3A_42 = tpu.memref_squeeze %dma_start3A_41 : memref<1x1x4096xf32, #tpu.memory_space<hbm>> -> memref<4096xf32, #tpu.memory_space<hbm>>
    %dma_start3A_43 = arith.constant 0 : i32
    %dma_start3A_44 = tpu.memref_slice %arg4[%add3A, %dma_start3A_39, %dma_start3A_43] : memref<32x20x4096xf32, #tpu.memory_space<hbm>> -> memref<1x1x4096xf32, #tpu.memory_space<hbm>>
    %dma_start3A_45 = tpu.memref_squeeze %dma_start3A_44 : memref<1x1x4096xf32, #tpu.memory_space<hbm>> -> memref<4096xf32, #tpu.memory_space<hbm>>
    tpu.enqueue_dma source(%arg8 : memref<4096xf32, #tpu.memory_space<vmem>>) target(%dma_start3A_45 : memref<4096xf32, #tpu.memory_space<hbm>>) target_semaphore(%arg12 : memref<!tpu.dma_semaphore, #tpu.memory_space<semaphore_mem>>)
    %dma_wait3A_46 = arith.constant 0 : i32
    %dma_wait3A_47 = arith.constant 0 : i32
    %dma_wait3A_48 = arith.constant 0 : i32
    %dma_wait3A_49 = tpu.memref_slice %arg2[%dma_wait3A_47, %dma_wait3A_46, %mul3A_2, %dma_wait3A_48] : memref<4x20x512x512xf32, #tpu.memory_space<hbm>> -> memref<4x1x16x512xf32, #tpu.memory_space<hbm>>
    %dma_wait3A_50 = tpu.memref_squeeze %dma_wait3A_49 : memref<4x1x16x512xf32, #tpu.memory_space<hbm>> -> memref<4x16x512xf32, #tpu.memory_space<hbm>>
    %dma_wait3A_51 = arith.constant 0 : i32
    %dma_wait3A_52 = arith.constant 0 : i32
    %dma_wait3A_53 = tpu.memref_slice %arg2[%dma_wait3A_51, %dma_wait3A_46, %mul3A_2, %dma_wait3A_52] : memref<4x20x512x512xf32, #tpu.memory_space<hbm>> -> memref<4x1x16x512xf32, #tpu.memory_space<hbm>>
    %dma_wait3A_54 = tpu.memref_squeeze %dma_wait3A_53 : memref<4x1x16x512xf32, #tpu.memory_space<hbm>> -> memref<4x16x512xf32, #tpu.memory_space<hbm>>
    tpu.wait_dma2 semaphore(%arg11 : memref<!tpu.dma_semaphore, #tpu.memory_space<semaphore_mem>>) src(%dma_wait3A_54 : memref<4x16x512xf32, #tpu.memory_space<hbm>>) dst(%arg7 : memref<4x16x512xf32, #tpu.memory_space<vmem>>)
    %dma_start3A_55 = arith.constant 2 : i32
    %dma_start3A_56 = arith.constant 0 : i32
    %dma_start3A_57 = arith.constant 0 : i32
    %dma_start3A_58 = tpu.memref_slice %arg2[%dma_start3A_56, %dma_start3A_55, %mul3A_2, %dma_start3A_57] : memref<4x20x512x512xf32, #tpu.memory_space<hbm>> -> memref<4x1x16x512xf32, #tpu.memory_space<hbm>>
    %dma_start3A_59 = tpu.memref_squeeze %dma_start3A_58 : memref<4x1x16x512xf32, #tpu.memory_space<hbm>> -> memref<4x16x512xf32, #tpu.memory_space<hbm>>
    %dma_start3A_60 = arith.constant 0 : i32
    %dma_start3A_61 = arith.constant 0 : i32
    %dma_start3A_62 = tpu.memref_slice %arg2[%dma_start3A_60, %dma_start3A_55, %mul3A_2, %dma_start3A_61] : memref<4x20x512x512xf32, #tpu.memory_space<hbm>> -> memref<4x1x16x512xf32, #tpu.memory_space<hbm>>
    %dma_start3A_63 = tpu.memref_squeeze %dma_start3A_62 : memref<4x1x16x512xf32, #tpu.memory_space<hbm>> -> memref<4x16x512xf32, #tpu.memory_space<hbm>>
    tpu.enqueue_dma source(%dma_start3A_63 : memref<4x16x512xf32, #tpu.memory_space<hbm>>) target(%arg6 : memref<4x16x512xf32, #tpu.memory_space<vmem>>) target_semaphore(%arg10 : memref<!tpu.dma_semaphore, #tpu.memory_space<semaphore_mem>>)
    %parallel_loop3A_64 = arith.constant 0 : i32
    %parallel_loop3A_65 = arith.constant 256 : i32
    %parallel_loop3A_66 = arith.constant 1 : i32
    scf.for %parallel_loop3A_107 = %parallel_loop3A_64 to %parallel_loop3A_65 step %parallel_loop3A_66  : i32 {
      %parallel_loop3A_108 = arith.constant 16 : i32
      %parallel_loop3A_109 = arith.muli %parallel_loop3A_107, %parallel_loop3A_108 : i32
      %parallel_loop3A_110 = arith.index_cast %parallel_loop3A_109 : i32 to index
      %parallel_loop3A_111 = tpu.vector_load %arg9[%parallel_loop3A_110] {strides = array<i32>} : memref<4096xf32, #tpu.memory_space<vmem>>, vector<16xf32>,
      tpu.vector_store %arg9[%parallel_loop3A_110], %broadcast_in_dim3A_5 {strides = array<i32>} : memref<4096xf32, #tpu.memory_space<vmem>>, vector<16xf32>,
    } {sc.loop_unroll_factor = 8 : i64, sc.parallel_access}
    %parallel_loop3A_67 = arith.constant 0 : i32
    %parallel_loop3A_68 = arith.constant 2048 : i32
    %parallel_loop3A_69 = arith.constant 1 : i32
    %parallel_loop3A_70 = arith.constant 2047.99951 : f32
    scf.for %parallel_loop3A_107 = %parallel_loop3A_67 to %parallel_loop3A_68 step %parallel_loop3A_69  : i32 {
      %parallel_loop3A_108 = arith.constant 9 : i32
      %parallel_loop3A_109 = arith.shrui %parallel_loop3A_107, %parallel_loop3A_108 : i32
      %parallel_loop3A_110 = arith.constant 5 : i32
      %parallel_loop3A_111 = arith.shrui %parallel_loop3A_107, %parallel_loop3A_110 : i32
      %parallel_loop3A_112 = arith.constant 15 : i32
      %parallel_loop3A_113 = arith.andi %parallel_loop3A_111, %parallel_loop3A_112 : i32
      %parallel_loop3A_114 = arith.constant 31 : i32
      %parallel_loop3A_115 = arith.andi %parallel_loop3A_107, %parallel_loop3A_114 : i32
      %parallel_loop3A_116 = arith.constant 4 : i32
      %parallel_loop3A_117 = arith.shli %parallel_loop3A_115, %parallel_loop3A_116 : i32
      %parallel_loop3A_118 = arith.index_cast %parallel_loop3A_109 : i32 to index
      %parallel_loop3A_119 = arith.index_cast %parallel_loop3A_113 : i32 to index
      %parallel_loop3A_120 = arith.index_cast %parallel_loop3A_117 : i32 to index
      %parallel_loop3A_121 = tpu.vector_load %arg7[%parallel_loop3A_118, %parallel_loop3A_119, %parallel_loop3A_120] {strides = array<i32>} : memref<4x16x512xf32, #tpu.memory_space<vmem>>, vector<16xf32>,
      %parallel_loop3A_122 = arith.index_cast %parallel_loop3A_109 : i32 to index
      %parallel_loop3A_123 = arith.index_cast %parallel_loop3A_113 : i32 to index
      %parallel_loop3A_124 = arith.index_cast %parallel_loop3A_117 : i32 to index
      %parallel_loop3A_125 = tpu.vector_load %arg5[%parallel_loop3A_122, %parallel_loop3A_123, %parallel_loop3A_124] {strides = array<i32>} : memref<4x16x512xi32, #tpu.memory_space<vmem>>, vector<16xi32>,
      %parallel_loop3A_126 = vector.broadcast %parallel_loop3A_70 : f32 to vector<16xf32>
      %parallel_loop3A_127 = arith.mulf %parallel_loop3A_121, %parallel_loop3A_126 : vector<16xf32>
      %parallel_loop3A_128 = arith.fptosi %parallel_loop3A_127 : vector<16xf32> to vector<16xi32>
      %parallel_loop3A_129 = arith.constant 1 : i32
      %parallel_loop3A_130 = vector.broadcast %parallel_loop3A_129 : i32 to vector<16xi32>
      %parallel_loop3A_131 = arith.cmpi eq, %parallel_loop3A_125, %parallel_loop3A_130 : vector<16xi32>
      %parallel_loop3A_132 = arith.subi %broadcast_in_dim3A_7, %parallel_loop3A_128 : vector<16xi32>
      %parallel_loop3A_133 = arith.select %parallel_loop3A_131, %parallel_loop3A_132, %parallel_loop3A_128 : vector<16xi1>, vector<16xi32>
      tpu.vector_store_idx %arg9[%parallel_loop3A_133], %broadcast_in_dim3A_3 {add = true} : memref<4096xf32, #tpu.memory_space<vmem>>[vector<16xi32>], vector<16xf32>,
    } {sc.loop_unroll_factor = 8 : i64, sc.parallel_access}
    %dma_start3A_71 = arith.constant 1 : i32
    %dma_start3A_72 = arith.constant 0 : i32
    %dma_start3A_73 = tpu.memref_slice %arg4[%add3A, %dma_start3A_71, %dma_start3A_72] : memref<32x20x4096xf32, #tpu.memory_space<hbm>> -> memref<1x1x4096xf32, #tpu.memory_space<hbm>>
    %dma_start3A_74 = tpu.memref_squeeze %dma_start3A_73 : memref<1x1x4096xf32, #tpu.memory_space<hbm>> -> memref<4096xf32, #tpu.memory_space<hbm>>
    %dma_start3A_75 = arith.constant 0 : i32
    %dma_start3A_76 = tpu.memref_slice %arg4[%add3A, %dma_start3A_71, %dma_start3A_75] : memref<32x20x4096xf32, #tpu.memory_space<hbm>> -> memref<1x1x4096xf32, #tpu.memory_space<hbm>>
    %dma_start3A_77 = tpu.memref_squeeze %dma_start3A_76 : memref<1x1x4096xf32, #tpu.memory_space<hbm>> -> memref<4096xf32, #tpu.memory_space<hbm>>
    tpu.enqueue_dma source(%arg9 : memref<4096xf32, #tpu.memory_space<vmem>>) target(%dma_start3A_77 : memref<4096xf32, #tpu.memory_space<hbm>>) target_semaphore(%arg13 : memref<!tpu.dma_semaphore, #tpu.memory_space<semaphore_mem>>)
    %scan3A = arith.constant 0 : i32
    %scan3A_78 = arith.constant 2047.99951 : f32
    %scan3A_79 = arith.constant 1 : i32
    %scan3A_80 = arith.constant 9 : i32
    %scan3A_81 = arith.addi %scan3A_79, %scan3A_80 : i32
    %scan3A_82 = arith.constant 1 : i32
    scf.for %scan3A_107 = %scan3A_79 to %scan3A_81 step %scan3A_82  : i32 {
      %mul3A_108 = arith.constant 2 : i32
      %mul3A_109 = arith.muli %mul3A_108, %scan3A_107 : i32
      %dma_wait3A_110 = arith.constant 0 : i32
      %dma_wait3A_111 = arith.constant 0 : i32
      %dma_wait3A_112 = arith.constant 0 : i32
      %dma_wait3A_113 = tpu.memref_slice %arg2[%dma_wait3A_111, %dma_wait3A_110, %mul3A_2, %dma_wait3A_112] : memref<4x20x512x512xf32, #tpu.memory_space<hbm>> -> memref<4x1x16x512xf32, #tpu.memory_space<hbm>>
      %dma_wait3A_114 = tpu.memref_squeeze %dma_wait3A_113 : memref<4x1x16x512xf32, #tpu.memory_space<hbm>> -> memref<4x16x512xf32, #tpu.memory_space<hbm>>
      %dma_wait3A_115 = arith.constant 0 : i32
      %dma_wait3A_116 = arith.constant 0 : i32
      %dma_wait3A_117 = tpu.memref_slice %arg2[%dma_wait3A_115, %dma_wait3A_110, %mul3A_2, %dma_wait3A_116] : memref<4x20x512x512xf32, #tpu.memory_space<hbm>> -> memref<4x1x16x512xf32, #tpu.memory_space<hbm>>
      %dma_wait3A_118 = tpu.memref_squeeze %dma_wait3A_117 : memref<4x1x16x512xf32, #tpu.memory_space<hbm>> -> memref<4x16x512xf32, #tpu.memory_space<hbm>>
      tpu.wait_dma2 semaphore(%arg10 : memref<!tpu.dma_semaphore, #tpu.memory_space<semaphore_mem>>) src(%dma_wait3A_118 : memref<4x16x512xf32, #tpu.memory_space<hbm>>) dst(%arg6 : memref<4x16x512xf32, #tpu.memory_space<vmem>>)
      %add3A_119 = arith.constant 1 : i32
      %add3A_120 = arith.addi %mul3A_109, %add3A_119 : i32
      %dma_start3A_121 = arith.constant 0 : i32
      %dma_start3A_122 = arith.constant 0 : i32
      %dma_start3A_123 = tpu.memref_slice %arg2[%dma_start3A_121, %add3A_120, %mul3A_2, %dma_start3A_122] : memref<4x20x512x512xf32, #tpu.memory_space<hbm>> -> memref<4x1x16x512xf32, #tpu.memory_space<hbm>>
      %dma_start3A_124 = tpu.memref_squeeze %dma_start3A_123 : memref<4x1x16x512xf32, #tpu.memory_space<hbm>> -> memref<4x16x512xf32, #tpu.memory_space<hbm>>
      %dma_start3A_125 = arith.constant 0 : i32
      %dma_start3A_126 = arith.constant 0 : i32
      %dma_start3A_127 = tpu.memref_slice %arg2[%dma_start3A_125, %add3A_120, %mul3A_2, %dma_start3A_126] : memref<4x20x512x512xf32, #tpu.memory_space<hbm>> -> memref<4x1x16x512xf32, #tpu.memory_space<hbm>>
      %dma_start3A_128 = tpu.memref_squeeze %dma_start3A_127 : memref<4x1x16x512xf32, #tpu.memory_space<hbm>> -> memref<4x16x512xf32, #tpu.memory_space<hbm>>
      tpu.enqueue_dma source(%dma_start3A_128 : memref<4x16x512xf32, #tpu.memory_space<hbm>>) target(%arg7 : memref<4x16x512xf32, #tpu.memory_space<vmem>>) target_semaphore(%arg11 : memref<!tpu.dma_semaphore, #tpu.memory_space<semaphore_mem>>)
      %dma_wait3A_129 = arith.constant 0 : i32
      %dma_wait3A_130 = arith.constant 0 : i32
      %dma_wait3A_131 = tpu.memref_slice %arg4[%add3A, %dma_wait3A_129, %dma_wait3A_130] : memref<32x20x4096xf32, #tpu.memory_space<hbm>> -> memref<1x1x4096xf32, #tpu.memory_space<hbm>>
      %dma_wait3A_132 = tpu.memref_squeeze %dma_wait3A_131 : memref<1x1x4096xf32, #tpu.memory_space<hbm>> -> memref<4096xf32, #tpu.memory_space<hbm>>
      %dma_wait3A_133 = arith.constant 0 : i32
      %dma_wait3A_134 = tpu.memref_slice %arg4[%add3A, %dma_wait3A_129, %dma_wait3A_133] : memref<32x20x4096xf32, #tpu.memory_space<hbm>> -> memref<1x1x4096xf32, #tpu.memory_space<hbm>>
      %dma_wait3A_135 = tpu.memref_squeeze %dma_wait3A_134 : memref<1x1x4096xf32, #tpu.memory_space<hbm>> -> memref<4096xf32, #tpu.memory_space<hbm>>
      tpu.wait_dma2 semaphore(%arg12 : memref<!tpu.dma_semaphore, #tpu.memory_space<semaphore_mem>>) src(%arg8 : memref<4096xf32, #tpu.memory_space<vmem>>) dst(%dma_wait3A_135 : memref<4096xf32, #tpu.memory_space<hbm>>)
      %parallel_loop3A_136 = arith.constant 0 : i32
      %parallel_loop3A_137 = arith.constant 256 : i32
      %parallel_loop3A_138 = arith.constant 1 : i32
      scf.for %parallel_loop3A_189 = %parallel_loop3A_136 to %parallel_loop3A_137 step %parallel_loop3A_138  : i32 {
        %parallel_loop3A_190 = arith.constant 16 : i32
        %parallel_loop3A_191 = arith.muli %parallel_loop3A_189, %parallel_loop3A_190 : i32
        %parallel_loop3A_192 = arith.index_cast %parallel_loop3A_191 : i32 to index
        %parallel_loop3A_193 = tpu.vector_load %arg8[%parallel_loop3A_192] {strides = array<i32>} : memref<4096xf32, #tpu.memory_space<vmem>>, vector<16xf32>,
        tpu.vector_store %arg8[%parallel_loop3A_192], %broadcast_in_dim3A_5 {strides = array<i32>} : memref<4096xf32, #tpu.memory_space<vmem>>, vector<16xf32>,
      } {sc.loop_unroll_factor = 8 : i64, sc.parallel_access}
      %parallel_loop3A_139 = arith.constant 0 : i32
      %parallel_loop3A_140 = arith.constant 2048 : i32
      %parallel_loop3A_141 = arith.constant 1 : i32
      scf.for %parallel_loop3A_189 = %parallel_loop3A_139 to %parallel_loop3A_140 step %parallel_loop3A_141  : i32 {
        %parallel_loop3A_190 = arith.constant 9 : i32
        %parallel_loop3A_191 = arith.shrui %parallel_loop3A_189, %parallel_loop3A_190 : i32
        %parallel_loop3A_192 = arith.constant 5 : i32
        %parallel_loop3A_193 = arith.shrui %parallel_loop3A_189, %parallel_loop3A_192 : i32
        %parallel_loop3A_194 = arith.constant 15 : i32
        %parallel_loop3A_195 = arith.andi %parallel_loop3A_193, %parallel_loop3A_194 : i32
        %parallel_loop3A_196 = arith.constant 31 : i32
        %parallel_loop3A_197 = arith.andi %parallel_loop3A_189, %parallel_loop3A_196 : i32
        %parallel_loop3A_198 = arith.constant 4 : i32
        %parallel_loop3A_199 = arith.shli %parallel_loop3A_197, %parallel_loop3A_198 : i32
        %parallel_loop3A_200 = arith.index_cast %parallel_loop3A_191 : i32 to index
        %parallel_loop3A_201 = arith.index_cast %parallel_loop3A_195 : i32 to index
        %parallel_loop3A_202 = arith.index_cast %parallel_loop3A_199 : i32 to index
        %parallel_loop3A_203 = tpu.vector_load %arg6[%parallel_loop3A_200, %parallel_loop3A_201, %parallel_loop3A_202] {strides = array<i32>} : memref<4x16x512xf32, #tpu.memory_space<vmem>>, vector<16xf32>,
        %parallel_loop3A_204 = arith.index_cast %parallel_loop3A_191 : i32 to index
        %parallel_loop3A_205 = arith.index_cast %parallel_loop3A_195 : i32 to index
        %parallel_loop3A_206 = arith.index_cast %parallel_loop3A_199 : i32 to index
        %parallel_loop3A_207 = tpu.vector_load %arg5[%parallel_loop3A_204, %parallel_loop3A_205, %parallel_loop3A_206] {strides = array<i32>} : memref<4x16x512xi32, #tpu.memory_space<vmem>>, vector<16xi32>,
        %parallel_loop3A_208 = vector.broadcast %scan3A_78 : f32 to vector<16xf32>
        %parallel_loop3A_209 = arith.mulf %parallel_loop3A_203, %parallel_loop3A_208 : vector<16xf32>
        %parallel_loop3A_210 = arith.fptosi %parallel_loop3A_209 : vector<16xf32> to vector<16xi32>
        %parallel_loop3A_211 = vector.broadcast %mul3A_109 : i32 to vector<16xi32>
        %parallel_loop3A_212 = arith.cmpi eq, %parallel_loop3A_207, %parallel_loop3A_211 : vector<16xi32>
        %parallel_loop3A_213 = arith.subi %broadcast_in_dim3A_7, %parallel_loop3A_210 : vector<16xi32>
        %parallel_loop3A_214 = arith.select %parallel_loop3A_212, %parallel_loop3A_213, %parallel_loop3A_210 : vector<16xi1>, vector<16xi32>
        tpu.vector_store_idx %arg8[%parallel_loop3A_214], %broadcast_in_dim3A_3 {add = true} : memref<4096xf32, #tpu.memory_space<vmem>>[vector<16xi32>], vector<16xf32>,
      } {sc.loop_unroll_factor = 8 : i64, sc.parallel_access}
      %dma_start3A_142 = arith.constant 0 : i32
      %dma_start3A_143 = tpu.memref_slice %arg4[%add3A, %mul3A_109, %dma_start3A_142] : memref<32x20x4096xf32, #tpu.memory_space<hbm>> -> memref<1x1x4096xf32, #tpu.memory_space<hbm>>
      %dma_start3A_144 = tpu.memref_squeeze %dma_start3A_143 : memref<1x1x4096xf32, #tpu.memory_space<hbm>> -> memref<4096xf32, #tpu.memory_space<hbm>>
      %dma_start3A_145 = arith.constant 0 : i32
      %dma_start3A_146 = tpu.memref_slice %arg4[%add3A, %mul3A_109, %dma_start3A_145] : memref<32x20x4096xf32, #tpu.memory_space<hbm>> -> memref<1x1x4096xf32, #tpu.memory_space<hbm>>
      %dma_start3A_147 = tpu.memref_squeeze %dma_start3A_146 : memref<1x1x4096xf32, #tpu.memory_space<hbm>> -> memref<4096xf32, #tpu.memory_space<hbm>>
      tpu.enqueue_dma source(%arg8 : memref<4096xf32, #tpu.memory_space<vmem>>) target(%dma_start3A_147 : memref<4096xf32, #tpu.memory_space<hbm>>) target_semaphore(%arg12 : memref<!tpu.dma_semaphore, #tpu.memory_space<semaphore_mem>>)
      %dma_wait3A_148 = arith.constant 0 : i32
      %dma_wait3A_149 = arith.constant 0 : i32
      %dma_wait3A_150 = arith.constant 0 : i32
      %dma_wait3A_151 = tpu.memref_slice %arg2[%dma_wait3A_149, %dma_wait3A_148, %mul3A_2, %dma_wait3A_150] : memref<4x20x512x512xf32, #tpu.memory_space<hbm>> -> memref<4x1x16x512xf32, #tpu.memory_space<hbm>>
      %dma_wait3A_152 = tpu.memref_squeeze %dma_wait3A_151 : memref<4x1x16x512xf32, #tpu.memory_space<hbm>> -> memref<4x16x512xf32, #tpu.memory_space<hbm>>
      %dma_wait3A_153 = arith.constant 0 : i32
      %dma_wait3A_154 = arith.constant 0 : i32
      %dma_wait3A_155 = tpu.memref_slice %arg2[%dma_wait3A_153, %dma_wait3A_148, %mul3A_2, %dma_wait3A_154] : memref<4x20x512x512xf32, #tpu.memory_space<hbm>> -> memref<4x1x16x512xf32, #tpu.memory_space<hbm>>
      %dma_wait3A_156 = tpu.memref_squeeze %dma_wait3A_155 : memref<4x1x16x512xf32, #tpu.memory_space<hbm>> -> memref<4x16x512xf32, #tpu.memory_space<hbm>>
      tpu.wait_dma2 semaphore(%arg11 : memref<!tpu.dma_semaphore, #tpu.memory_space<semaphore_mem>>) src(%dma_wait3A_156 : memref<4x16x512xf32, #tpu.memory_space<hbm>>) dst(%arg7 : memref<4x16x512xf32, #tpu.memory_space<vmem>>)
      %add3A_157 = arith.constant 2 : i32
      %add3A_158 = arith.addi %mul3A_109, %add3A_157 : i32
      %min3A = arith.constant 19 : i32
      %min3A_159 = arith.minsi %add3A_158, %min3A : i32
      %dma_start3A_160 = arith.constant 0 : i32
      %dma_start3A_161 = arith.constant 0 : i32
      %dma_start3A_162 = tpu.memref_slice %arg2[%dma_start3A_160, %min3A_159, %mul3A_2, %dma_start3A_161] : memref<4x20x512x512xf32, #tpu.memory_space<hbm>> -> memref<4x1x16x512xf32, #tpu.memory_space<hbm>>
      %dma_start3A_163 = tpu.memref_squeeze %dma_start3A_162 : memref<4x1x16x512xf32, #tpu.memory_space<hbm>> -> memref<4x16x512xf32, #tpu.memory_space<hbm>>
      %dma_start3A_164 = arith.constant 0 : i32
      %dma_start3A_165 = arith.constant 0 : i32
      %dma_start3A_166 = tpu.memref_slice %arg2[%dma_start3A_164, %min3A_159, %mul3A_2, %dma_start3A_165] : memref<4x20x512x512xf32, #tpu.memory_space<hbm>> -> memref<4x1x16x512xf32, #tpu.memory_space<hbm>>
      %dma_start3A_167 = tpu.memref_squeeze %dma_start3A_166 : memref<4x1x16x512xf32, #tpu.memory_space<hbm>> -> memref<4x16x512xf32, #tpu.memory_space<hbm>>
      tpu.enqueue_dma source(%dma_start3A_167 : memref<4x16x512xf32, #tpu.memory_space<hbm>>) target(%arg6 : memref<4x16x512xf32, #tpu.memory_space<vmem>>) target_semaphore(%arg10 : memref<!tpu.dma_semaphore, #tpu.memory_space<semaphore_mem>>)
      %dma_wait3A_168 = arith.constant 0 : i32
      %dma_wait3A_169 = arith.constant 0 : i32
      %dma_wait3A_170 = tpu.memref_slice %arg4[%add3A, %dma_wait3A_168, %dma_wait3A_169] : memref<32x20x4096xf32, #tpu.memory_space<hbm>> -> memref<1x1x4096xf32, #tpu.memory_space<hbm>>
      %dma_wait3A_171 = tpu.memref_squeeze %dma_wait3A_170 : memref<1x1x4096xf32, #tpu.memory_space<hbm>> -> memref<4096xf32, #tpu.memory_space<hbm>>
      %dma_wait3A_172 = arith.constant 0 : i32
      %dma_wait3A_173 = tpu.memref_slice %arg4[%add3A, %dma_wait3A_168, %dma_wait3A_172] : memref<32x20x4096xf32, #tpu.memory_space<hbm>> -> memref<1x1x4096xf32, #tpu.memory_space<hbm>>
      %dma_wait3A_174 = tpu.memref_squeeze %dma_wait3A_173 : memref<1x1x4096xf32, #tpu.memory_space<hbm>> -> memref<4096xf32, #tpu.memory_space<hbm>>
      tpu.wait_dma2 semaphore(%arg13 : memref<!tpu.dma_semaphore, #tpu.memory_space<semaphore_mem>>) src(%arg9 : memref<4096xf32, #tpu.memory_space<vmem>>) dst(%dma_wait3A_174 : memref<4096xf32, #tpu.memory_space<hbm>>)
      %parallel_loop3A_175 = arith.constant 0 : i32
      %parallel_loop3A_176 = arith.constant 256 : i32
      %parallel_loop3A_177 = arith.constant 1 : i32
      scf.for %parallel_loop3A_189 = %parallel_loop3A_175 to %parallel_loop3A_176 step %parallel_loop3A_177  : i32 {
        %parallel_loop3A_190 = arith.constant 16 : i32
        %parallel_loop3A_191 = arith.muli %parallel_loop3A_189, %parallel_loop3A_190 : i32
        %parallel_loop3A_192 = arith.index_cast %parallel_loop3A_191 : i32 to index
        %parallel_loop3A_193 = tpu.vector_load %arg9[%parallel_loop3A_192] {strides = array<i32>} : memref<4096xf32, #tpu.memory_space<vmem>>, vector<16xf32>,
        tpu.vector_store %arg9[%parallel_loop3A_192], %broadcast_in_dim3A_5 {strides = array<i32>} : memref<4096xf32, #tpu.memory_space<vmem>>, vector<16xf32>,
      } {sc.loop_unroll_factor = 8 : i64, sc.parallel_access}
      %add3A_178 = arith.constant 1 : i32
      %add3A_179 = arith.addi %mul3A_109, %add3A_178 : i32
      %parallel_loop3A_180 = arith.constant 0 : i32
      %parallel_loop3A_181 = arith.constant 2048 : i32
      %parallel_loop3A_182 = arith.constant 1 : i32
      scf.for %parallel_loop3A_189 = %parallel_loop3A_180 to %parallel_loop3A_181 step %parallel_loop3A_182  : i32 {
        %parallel_loop3A_190 = arith.constant 9 : i32
        %parallel_loop3A_191 = arith.shrui %parallel_loop3A_189, %parallel_loop3A_190 : i32
        %parallel_loop3A_192 = arith.constant 5 : i32
        %parallel_loop3A_193 = arith.shrui %parallel_loop3A_189, %parallel_loop3A_192 : i32
        %parallel_loop3A_194 = arith.constant 15 : i32
        %parallel_loop3A_195 = arith.andi %parallel_loop3A_193, %parallel_loop3A_194 : i32
        %parallel_loop3A_196 = arith.constant 31 : i32
        %parallel_loop3A_197 = arith.andi %parallel_loop3A_189, %parallel_loop3A_196 : i32
        %parallel_loop3A_198 = arith.constant 4 : i32
        %parallel_loop3A_199 = arith.shli %parallel_loop3A_197, %parallel_loop3A_198 : i32
        %parallel_loop3A_200 = arith.index_cast %parallel_loop3A_191 : i32 to index
        %parallel_loop3A_201 = arith.index_cast %parallel_loop3A_195 : i32 to index
        %parallel_loop3A_202 = arith.index_cast %parallel_loop3A_199 : i32 to index
        %parallel_loop3A_203 = tpu.vector_load %arg7[%parallel_loop3A_200, %parallel_loop3A_201, %parallel_loop3A_202] {strides = array<i32>} : memref<4x16x512xf32, #tpu.memory_space<vmem>>, vector<16xf32>,
        %parallel_loop3A_204 = arith.index_cast %parallel_loop3A_191 : i32 to index
        %parallel_loop3A_205 = arith.index_cast %parallel_loop3A_195 : i32 to index
        %parallel_loop3A_206 = arith.index_cast %parallel_loop3A_199 : i32 to index
        %parallel_loop3A_207 = tpu.vector_load %arg5[%parallel_loop3A_204, %parallel_loop3A_205, %parallel_loop3A_206] {strides = array<i32>} : memref<4x16x512xi32, #tpu.memory_space<vmem>>, vector<16xi32>,
        %parallel_loop3A_208 = vector.broadcast %scan3A_78 : f32 to vector<16xf32>
        %parallel_loop3A_209 = arith.mulf %parallel_loop3A_203, %parallel_loop3A_208 : vector<16xf32>
        %parallel_loop3A_210 = arith.fptosi %parallel_loop3A_209 : vector<16xf32> to vector<16xi32>
        %parallel_loop3A_211 = vector.broadcast %add3A_179 : i32 to vector<16xi32>
        %parallel_loop3A_212 = arith.cmpi eq, %parallel_loop3A_207, %parallel_loop3A_211 : vector<16xi32>
        %parallel_loop3A_213 = arith.subi %broadcast_in_dim3A_7, %parallel_loop3A_210 : vector<16xi32>
        %parallel_loop3A_214 = arith.select %parallel_loop3A_212, %parallel_loop3A_213, %parallel_loop3A_210 : vector<16xi1>, vector<16xi32>
        tpu.vector_store_idx %arg9[%parallel_loop3A_214], %broadcast_in_dim3A_3 {add = true} : memref<4096xf32, #tpu.memory_space<vmem>>[vector<16xi32>], vector<16xf32>,
      } {sc.loop_unroll_factor = 8 : i64, sc.parallel_access}
      %dma_start3A_183 = arith.constant 0 : i32
      %dma_start3A_184 = tpu.memref_slice %arg4[%add3A, %add3A_179, %dma_start3A_183] : memref<32x20x4096xf32, #tpu.memory_space<hbm>> -> memref<1x1x4096xf32, #tpu.memory_space<hbm>>
      %dma_start3A_185 = tpu.memref_squeeze %dma_start3A_184 : memref<1x1x4096xf32, #tpu.memory_space<hbm>> -> memref<4096xf32, #tpu.memory_space<hbm>>
      %dma_start3A_186 = arith.constant 0 : i32
      %dma_start3A_187 = tpu.memref_slice %arg4[%add3A, %add3A_179, %dma_start3A_186] : memref<32x20x4096xf32, #tpu.memory_space<hbm>> -> memref<1x1x4096xf32, #tpu.memory_space<hbm>>
      %dma_start3A_188 = tpu.memref_squeeze %dma_start3A_187 : memref<1x1x4096xf32, #tpu.memory_space<hbm>> -> memref<4096xf32, #tpu.memory_space<hbm>>
      tpu.enqueue_dma source(%arg9 : memref<4096xf32, #tpu.memory_space<vmem>>) target(%dma_start3A_188 : memref<4096xf32, #tpu.memory_space<hbm>>) target_semaphore(%arg13 : memref<!tpu.dma_semaphore, #tpu.memory_space<semaphore_mem>>)
    }
    %scan3A_83 = arith.constant 9 : i32
    %dma_wait3A_84 = arith.constant 0 : i32
    %dma_wait3A_85 = arith.constant 0 : i32
    %dma_wait3A_86 = arith.constant 0 : i32
    %dma_wait3A_87 = tpu.memref_slice %arg2[%dma_wait3A_85, %dma_wait3A_84, %mul3A_2, %dma_wait3A_86] : memref<4x20x512x512xf32, #tpu.memory_space<hbm>> -> memref<4x1x16x512xf32, #tpu.memory_space<hbm>>
    %dma_wait3A_88 = tpu.memref_squeeze %dma_wait3A_87 : memref<4x1x16x512xf32, #tpu.memory_space<hbm>> -> memref<4x16x512xf32, #tpu.memory_space<hbm>>
    %dma_wait3A_89 = arith.constant 0 : i32
    %dma_wait3A_90 = arith.constant 0 : i32
    %dma_wait3A_91 = tpu.memref_slice %arg2[%dma_wait3A_89, %dma_wait3A_84, %mul3A_2, %dma_wait3A_90] : memref<4x20x512x512xf32, #tpu.memory_space<hbm>> -> memref<4x1x16x512xf32, #tpu.memory_space<hbm>>
    %dma_wait3A_92 = tpu.memref_squeeze %dma_wait3A_91 : memref<4x1x16x512xf32, #tpu.memory_space<hbm>> -> memref<4x16x512xf32, #tpu.memory_space<hbm>>
    tpu.wait_dma2 semaphore(%arg10 : memref<!tpu.dma_semaphore, #tpu.memory_space<semaphore_mem>>) src(%dma_wait3A_92 : memref<4x16x512xf32, #tpu.memory_space<hbm>>) dst(%arg6 : memref<4x16x512xf32, #tpu.memory_space<vmem>>)
    %dma_wait3A_93 = arith.constant 0 : i32
    %dma_wait3A_94 = arith.constant 0 : i32
    %dma_wait3A_95 = tpu.memref_slice %arg4[%add3A, %dma_wait3A_93, %dma_wait3A_94] : memref<32x20x4096xf32, #tpu.memory_space<hbm>> -> memref<1x1x4096xf32, #tpu.memory_space<hbm>>
    %dma_wait3A_96 = tpu.memref_squeeze %dma_wait3A_95 : memref<1x1x4096xf32, #tpu.memory_space<hbm>> -> memref<4096xf32, #tpu.memory_space<hbm>>
    %dma_wait3A_97 = arith.constant 0 : i32
    %dma_wait3A_98 = tpu.memref_slice %arg4[%add3A, %dma_wait3A_93, %dma_wait3A_97] : memref<32x20x4096xf32, #tpu.memory_space<hbm>> -> memref<1x1x4096xf32, #tpu.memory_space<hbm>>
    %dma_wait3A_99 = tpu.memref_squeeze %dma_wait3A_98 : memref<1x1x4096xf32, #tpu.memory_space<hbm>> -> memref<4096xf32, #tpu.memory_space<hbm>>
    tpu.wait_dma2 semaphore(%arg12 : memref<!tpu.dma_semaphore, #tpu.memory_space<semaphore_mem>>) src(%arg8 : memref<4096xf32, #tpu.memory_space<vmem>>) dst(%dma_wait3A_99 : memref<4096xf32, #tpu.memory_space<hbm>>)
    %dma_wait3A_100 = arith.constant 0 : i32
    %dma_wait3A_101 = arith.constant 0 : i32
    %dma_wait3A_102 = tpu.memref_slice %arg4[%add3A, %dma_wait3A_100, %dma_wait3A_101] : memref<32x20x4096xf32, #tpu.memory_space<hbm>> -> memref<1x1x4096xf32, #tpu.memory_space<hbm>>
    %dma_wait3A_103 = tpu.memref_squeeze %dma_wait3A_102 : memref<1x1x4096xf32, #tpu.memory_space<hbm>> -> memref<4096xf32, #tpu.memory_space<hbm>>
    %dma_wait3A_104 = arith.constant 0 : i32
    %dma_wait3A_105 = tpu.memref_slice %arg4[%add3A, %dma_wait3A_100, %dma_wait3A_104] : memref<32x20x4096xf32, #tpu.memory_space<hbm>> -> memref<1x1x4096xf32, #tpu.memory_space<hbm>>
    %dma_wait3A_106 = tpu.memref_squeeze %dma_wait3A_105 : memref<1x1x4096xf32, #tpu.memory_space<hbm>> -> memref<4096xf32, #tpu.memory_space<hbm>>
    tpu.wait_dma2 semaphore(%arg13 : memref<!tpu.dma_semaphore, #tpu.memory_space<semaphore_mem>>) src(%arg9 : memref<4096xf32, #tpu.memory_space<vmem>>) dst(%dma_wait3A_106 : memref<4096xf32, #tpu.memory_space<hbm>>)
    return
  }
}

module attributes {stable_mosaic.version = 14 : i64} {
  func.func @body(%arg0: memref<32x20x4096xf32, #tpu.memory_space<vmem>>, %arg1: memref<1x1xf32, #tpu.memory_space<vmem>>) attributes {dimension_semantics = [], scalar_prefetch = 0 : i64, scratch_operands = 0 : i64, tpu.core_type = #tpu.core_type<tc>} {
    %get3A = arith.constant 0 : index
    %get3A_0 = arith.constant 0 : index
    %get3A_1 = arith.constant 0 : index
    %get3A_2 = vector.load %arg0[%get3A, %get3A_0, %get3A_1] : memref<32x20x4096xf32, #tpu.memory_space<vmem>>, vector<32x20x4096xf32>
    %reduce_sum3A = arith.constant dense<0.000000e+00> : vector<20x4096xf32>
    %reduce_sum3A_3 = vector.multi_reduction <add>, %get3A_2, %reduce_sum3A [0] : vector<32x20x4096xf32> to vector<20x4096xf32>
    %slice3A = vector.extract_strided_slice %reduce_sum3A_3 {offsets = [0, 2048], sizes = [20, 2048], strides = [1, 1]} : vector<20x4096xf32> to vector<20x2048xf32>
    %slice3A_4 = vector.extract_strided_slice %reduce_sum3A_3 {offsets = [0, 0], sizes = [20, 2048], strides = [1, 1]} : vector<20x4096xf32> to vector<20x2048xf32>
    %add3A = arith.addf %slice3A_4, %slice3A : vector<20x2048xf32>
    %broadcast_in_dim3A = arith.constant 0.000000e+00 : f32
    %broadcast_in_dim3A_5 = vector.broadcast %broadcast_in_dim3A : f32 to vector<20x1xf32>
    %slice3A_6 = vector.extract_strided_slice %add3A {offsets = [0, 0], sizes = [20, 2047], strides = [1, 1]} : vector<20x2048xf32> to vector<20x2047xf32>
    %concatenate3A = tpu.concatenate %broadcast_in_dim3A_5, %slice3A_6 in 1 : vector<20x1xf32>, vector<20x2047xf32> -> vector<20x2048xf32>
    %add3A_7 = arith.addf %add3A, %concatenate3A : vector<20x2048xf32>
    %broadcast_in_dim3A_8 = arith.constant 0.000000e+00 : f32
    %broadcast_in_dim3A_9 = vector.broadcast %broadcast_in_dim3A_8 : f32 to vector<20x2xf32>
    %slice3A_10 = vector.extract_strided_slice %add3A_7 {offsets = [0, 0], sizes = [20, 2046], strides = [1, 1]} : vector<20x2048xf32> to vector<20x2046xf32>
    %concatenate3A_11 = tpu.concatenate %broadcast_in_dim3A_9, %slice3A_10 in 1 : vector<20x2xf32>, vector<20x2046xf32> -> vector<20x2048xf32>
    %add3A_12 = arith.addf %add3A_7, %concatenate3A_11 : vector<20x2048xf32>
    %broadcast_in_dim3A_13 = arith.constant 0.000000e+00 : f32
    %broadcast_in_dim3A_14 = vector.broadcast %broadcast_in_dim3A_13 : f32 to vector<20x4xf32>
    %slice3A_15 = vector.extract_strided_slice %add3A_12 {offsets = [0, 0], sizes = [20, 2044], strides = [1, 1]} : vector<20x2048xf32> to vector<20x2044xf32>
    %concatenate3A_16 = tpu.concatenate %broadcast_in_dim3A_14, %slice3A_15 in 1 : vector<20x4xf32>, vector<20x2044xf32> -> vector<20x2048xf32>
    %add3A_17 = arith.addf %add3A_12, %concatenate3A_16 : vector<20x2048xf32>
    %broadcast_in_dim3A_18 = arith.constant 0.000000e+00 : f32
    %broadcast_in_dim3A_19 = vector.broadcast %broadcast_in_dim3A_18 : f32 to vector<20x8xf32>
    %slice3A_20 = vector.extract_strided_slice %add3A_17 {offsets = [0, 0], sizes = [20, 2040], strides = [1, 1]} : vector<20x2048xf32> to vector<20x2040xf32>
    %concatenate3A_21 = tpu.concatenate %broadcast_in_dim3A_19, %slice3A_20 in 1 : vector<20x8xf32>, vector<20x2040xf32> -> vector<20x2048xf32>
    %add3A_22 = arith.addf %add3A_17, %concatenate3A_21 : vector<20x2048xf32>
    %broadcast_in_dim3A_23 = arith.constant 0.000000e+00 : f32
    %broadcast_in_dim3A_24 = vector.broadcast %broadcast_in_dim3A_23 : f32 to vector<20x16xf32>
    %slice3A_25 = vector.extract_strided_slice %add3A_22 {offsets = [0, 0], sizes = [20, 2032], strides = [1, 1]} : vector<20x2048xf32> to vector<20x2032xf32>
    %concatenate3A_26 = tpu.concatenate %broadcast_in_dim3A_24, %slice3A_25 in 1 : vector<20x16xf32>, vector<20x2032xf32> -> vector<20x2048xf32>
    %add3A_27 = arith.addf %add3A_22, %concatenate3A_26 : vector<20x2048xf32>
    %broadcast_in_dim3A_28 = arith.constant 0.000000e+00 : f32
    %broadcast_in_dim3A_29 = vector.broadcast %broadcast_in_dim3A_28 : f32 to vector<20x32xf32>
    %slice3A_30 = vector.extract_strided_slice %add3A_27 {offsets = [0, 0], sizes = [20, 2016], strides = [1, 1]} : vector<20x2048xf32> to vector<20x2016xf32>
    %concatenate3A_31 = tpu.concatenate %broadcast_in_dim3A_29, %slice3A_30 in 1 : vector<20x32xf32>, vector<20x2016xf32> -> vector<20x2048xf32>
    %add3A_32 = arith.addf %add3A_27, %concatenate3A_31 : vector<20x2048xf32>
    %broadcast_in_dim3A_33 = arith.constant 0.000000e+00 : f32
    %broadcast_in_dim3A_34 = vector.broadcast %broadcast_in_dim3A_33 : f32 to vector<20x64xf32>
    %slice3A_35 = vector.extract_strided_slice %add3A_32 {offsets = [0, 0], sizes = [20, 1984], strides = [1, 1]} : vector<20x2048xf32> to vector<20x1984xf32>
    %concatenate3A_36 = tpu.concatenate %broadcast_in_dim3A_34, %slice3A_35 in 1 : vector<20x64xf32>, vector<20x1984xf32> -> vector<20x2048xf32>
    %add3A_37 = arith.addf %add3A_32, %concatenate3A_36 : vector<20x2048xf32>
    %broadcast_in_dim3A_38 = arith.constant 0.000000e+00 : f32
    %broadcast_in_dim3A_39 = vector.broadcast %broadcast_in_dim3A_38 : f32 to vector<20x128xf32>
    %slice3A_40 = vector.extract_strided_slice %add3A_37 {offsets = [0, 0], sizes = [20, 1920], strides = [1, 1]} : vector<20x2048xf32> to vector<20x1920xf32>
    %concatenate3A_41 = tpu.concatenate %broadcast_in_dim3A_39, %slice3A_40 in 1 : vector<20x128xf32>, vector<20x1920xf32> -> vector<20x2048xf32>
    %add3A_42 = arith.addf %add3A_37, %concatenate3A_41 : vector<20x2048xf32>
    %broadcast_in_dim3A_43 = arith.constant 0.000000e+00 : f32
    %broadcast_in_dim3A_44 = vector.broadcast %broadcast_in_dim3A_43 : f32 to vector<20x256xf32>
    %slice3A_45 = vector.extract_strided_slice %add3A_42 {offsets = [0, 0], sizes = [20, 1792], strides = [1, 1]} : vector<20x2048xf32> to vector<20x1792xf32>
    %concatenate3A_46 = tpu.concatenate %broadcast_in_dim3A_44, %slice3A_45 in 1 : vector<20x256xf32>, vector<20x1792xf32> -> vector<20x2048xf32>
    %add3A_47 = arith.addf %add3A_42, %concatenate3A_46 : vector<20x2048xf32>
    %broadcast_in_dim3A_48 = arith.constant 0.000000e+00 : f32
    %broadcast_in_dim3A_49 = vector.broadcast %broadcast_in_dim3A_48 : f32 to vector<20x512xf32>
    %slice3A_50 = vector.extract_strided_slice %add3A_47 {offsets = [0, 0], sizes = [20, 1536], strides = [1, 1]} : vector<20x2048xf32> to vector<20x1536xf32>
    %concatenate3A_51 = tpu.concatenate %broadcast_in_dim3A_49, %slice3A_50 in 1 : vector<20x512xf32>, vector<20x1536xf32> -> vector<20x2048xf32>
    %add3A_52 = arith.addf %add3A_47, %concatenate3A_51 : vector<20x2048xf32>
    %broadcast_in_dim3A_53 = arith.constant 0.000000e+00 : f32
    %broadcast_in_dim3A_54 = vector.broadcast %broadcast_in_dim3A_53 : f32 to vector<20x1024xf32>
    %slice3A_55 = vector.extract_strided_slice %add3A_52 {offsets = [0, 0], sizes = [20, 1024], strides = [1, 1]} : vector<20x2048xf32> to vector<20x1024xf32>
    %concatenate3A_56 = tpu.concatenate %broadcast_in_dim3A_54, %slice3A_55 in 1 : vector<20x1024xf32>, vector<20x1024xf32> -> vector<20x2048xf32>
    %add3A_57 = arith.addf %add3A_52, %concatenate3A_56 : vector<20x2048xf32>
    %broadcast_in_dim3A_58 = arith.constant 0.000000e+00 : f32
    %broadcast_in_dim3A_59 = vector.broadcast %broadcast_in_dim3A_58 : f32 to vector<20x1xf32>
    %slice3A_60 = vector.extract_strided_slice %slice3A {offsets = [0, 0], sizes = [20, 2047], strides = [1, 1]} : vector<20x2048xf32> to vector<20x2047xf32>
    %concatenate3A_61 = tpu.concatenate %broadcast_in_dim3A_59, %slice3A_60 in 1 : vector<20x1xf32>, vector<20x2047xf32> -> vector<20x2048xf32>
    %add3A_62 = arith.addf %slice3A, %concatenate3A_61 : vector<20x2048xf32>
    %broadcast_in_dim3A_63 = arith.constant 0.000000e+00 : f32
    %broadcast_in_dim3A_64 = vector.broadcast %broadcast_in_dim3A_63 : f32 to vector<20x2xf32>
    %slice3A_65 = vector.extract_strided_slice %add3A_62 {offsets = [0, 0], sizes = [20, 2046], strides = [1, 1]} : vector<20x2048xf32> to vector<20x2046xf32>
    %concatenate3A_66 = tpu.concatenate %broadcast_in_dim3A_64, %slice3A_65 in 1 : vector<20x2xf32>, vector<20x2046xf32> -> vector<20x2048xf32>
    %add3A_67 = arith.addf %add3A_62, %concatenate3A_66 : vector<20x2048xf32>
    %broadcast_in_dim3A_68 = arith.constant 0.000000e+00 : f32
    %broadcast_in_dim3A_69 = vector.broadcast %broadcast_in_dim3A_68 : f32 to vector<20x4xf32>
    %slice3A_70 = vector.extract_strided_slice %add3A_67 {offsets = [0, 0], sizes = [20, 2044], strides = [1, 1]} : vector<20x2048xf32> to vector<20x2044xf32>
    %concatenate3A_71 = tpu.concatenate %broadcast_in_dim3A_69, %slice3A_70 in 1 : vector<20x4xf32>, vector<20x2044xf32> -> vector<20x2048xf32>
    %add3A_72 = arith.addf %add3A_67, %concatenate3A_71 : vector<20x2048xf32>
    %broadcast_in_dim3A_73 = arith.constant 0.000000e+00 : f32
    %broadcast_in_dim3A_74 = vector.broadcast %broadcast_in_dim3A_73 : f32 to vector<20x8xf32>
    %slice3A_75 = vector.extract_strided_slice %add3A_72 {offsets = [0, 0], sizes = [20, 2040], strides = [1, 1]} : vector<20x2048xf32> to vector<20x2040xf32>
    %concatenate3A_76 = tpu.concatenate %broadcast_in_dim3A_74, %slice3A_75 in 1 : vector<20x8xf32>, vector<20x2040xf32> -> vector<20x2048xf32>
    %add3A_77 = arith.addf %add3A_72, %concatenate3A_76 : vector<20x2048xf32>
    %broadcast_in_dim3A_78 = arith.constant 0.000000e+00 : f32
    %broadcast_in_dim3A_79 = vector.broadcast %broadcast_in_dim3A_78 : f32 to vector<20x16xf32>
    %slice3A_80 = vector.extract_strided_slice %add3A_77 {offsets = [0, 0], sizes = [20, 2032], strides = [1, 1]} : vector<20x2048xf32> to vector<20x2032xf32>
    %concatenate3A_81 = tpu.concatenate %broadcast_in_dim3A_79, %slice3A_80 in 1 : vector<20x16xf32>, vector<20x2032xf32> -> vector<20x2048xf32>
    %add3A_82 = arith.addf %add3A_77, %concatenate3A_81 : vector<20x2048xf32>
    %broadcast_in_dim3A_83 = arith.constant 0.000000e+00 : f32
    %broadcast_in_dim3A_84 = vector.broadcast %broadcast_in_dim3A_83 : f32 to vector<20x32xf32>
    %slice3A_85 = vector.extract_strided_slice %add3A_82 {offsets = [0, 0], sizes = [20, 2016], strides = [1, 1]} : vector<20x2048xf32> to vector<20x2016xf32>
    %concatenate3A_86 = tpu.concatenate %broadcast_in_dim3A_84, %slice3A_85 in 1 : vector<20x32xf32>, vector<20x2016xf32> -> vector<20x2048xf32>
    %add3A_87 = arith.addf %add3A_82, %concatenate3A_86 : vector<20x2048xf32>
    %broadcast_in_dim3A_88 = arith.constant 0.000000e+00 : f32
    %broadcast_in_dim3A_89 = vector.broadcast %broadcast_in_dim3A_88 : f32 to vector<20x64xf32>
    %slice3A_90 = vector.extract_strided_slice %add3A_87 {offsets = [0, 0], sizes = [20, 1984], strides = [1, 1]} : vector<20x2048xf32> to vector<20x1984xf32>
    %concatenate3A_91 = tpu.concatenate %broadcast_in_dim3A_89, %slice3A_90 in 1 : vector<20x64xf32>, vector<20x1984xf32> -> vector<20x2048xf32>
    %add3A_92 = arith.addf %add3A_87, %concatenate3A_91 : vector<20x2048xf32>
    %broadcast_in_dim3A_93 = arith.constant 0.000000e+00 : f32
    %broadcast_in_dim3A_94 = vector.broadcast %broadcast_in_dim3A_93 : f32 to vector<20x128xf32>
    %slice3A_95 = vector.extract_strided_slice %add3A_92 {offsets = [0, 0], sizes = [20, 1920], strides = [1, 1]} : vector<20x2048xf32> to vector<20x1920xf32>
    %concatenate3A_96 = tpu.concatenate %broadcast_in_dim3A_94, %slice3A_95 in 1 : vector<20x128xf32>, vector<20x1920xf32> -> vector<20x2048xf32>
    %add3A_97 = arith.addf %add3A_92, %concatenate3A_96 : vector<20x2048xf32>
    %broadcast_in_dim3A_98 = arith.constant 0.000000e+00 : f32
    %broadcast_in_dim3A_99 = vector.broadcast %broadcast_in_dim3A_98 : f32 to vector<20x256xf32>
    %slice3A_100 = vector.extract_strided_slice %add3A_97 {offsets = [0, 0], sizes = [20, 1792], strides = [1, 1]} : vector<20x2048xf32> to vector<20x1792xf32>
    %concatenate3A_101 = tpu.concatenate %broadcast_in_dim3A_99, %slice3A_100 in 1 : vector<20x256xf32>, vector<20x1792xf32> -> vector<20x2048xf32>
    %add3A_102 = arith.addf %add3A_97, %concatenate3A_101 : vector<20x2048xf32>
    %broadcast_in_dim3A_103 = arith.constant 0.000000e+00 : f32
    %broadcast_in_dim3A_104 = vector.broadcast %broadcast_in_dim3A_103 : f32 to vector<20x512xf32>
    %slice3A_105 = vector.extract_strided_slice %add3A_102 {offsets = [0, 0], sizes = [20, 1536], strides = [1, 1]} : vector<20x2048xf32> to vector<20x1536xf32>
    %concatenate3A_106 = tpu.concatenate %broadcast_in_dim3A_104, %slice3A_105 in 1 : vector<20x512xf32>, vector<20x1536xf32> -> vector<20x2048xf32>
    %add3A_107 = arith.addf %add3A_102, %concatenate3A_106 : vector<20x2048xf32>
    %broadcast_in_dim3A_108 = arith.constant 0.000000e+00 : f32
    %broadcast_in_dim3A_109 = vector.broadcast %broadcast_in_dim3A_108 : f32 to vector<20x1024xf32>
    %slice3A_110 = vector.extract_strided_slice %add3A_107 {offsets = [0, 0], sizes = [20, 1024], strides = [1, 1]} : vector<20x2048xf32> to vector<20x1024xf32>
    %concatenate3A_111 = tpu.concatenate %broadcast_in_dim3A_109, %slice3A_110 in 1 : vector<20x1024xf32>, vector<20x1024xf32> -> vector<20x2048xf32>
    %add3A_112 = arith.addf %add3A_107, %concatenate3A_111 : vector<20x2048xf32>
    %slice3A_113 = vector.extract_strided_slice %add3A_112 {offsets = [0, 2047], sizes = [20, 1], strides = [1, 1]} : vector<20x2048xf32> to vector<20x1xf32>
    %sub3A = arith.constant 0x49800000 : f32
    %sub3A_114 = vector.broadcast %sub3A : f32 to vector<20x2048xf32>
    %sub3A_115 = arith.subf %sub3A_114, %add3A_57 : vector<20x2048xf32>
    %sub3A_116 = vector.broadcast %slice3A_113 : vector<20x1xf32> to vector<20x2048xf32>
    %sub3A_117 = arith.subf %sub3A_116, %add3A_112 : vector<20x2048xf32>
    %sub3A_118 = arith.subf %sub3A_115, %sub3A_117 : vector<20x2048xf32>
    %sub3A_119 = arith.subf %add3A, %slice3A : vector<20x2048xf32>
    %add3A_120 = vector.broadcast %slice3A_113 : vector<20x1xf32> to vector<20x2048xf32>
    %add3A_121 = arith.addf %add3A_120, %sub3A_118 : vector<20x2048xf32>
    %max3A = arith.constant 1.000000e+00 : f32
    %max3A_122 = vector.broadcast %max3A : f32 to vector<20x2048xf32>
    %max3A_123 = arith.maximumf %add3A_121, %max3A_122 : vector<20x2048xf32>
    %add3A_124 = arith.addf %max3A_123, %sub3A_119 : vector<20x2048xf32>
    %max3A_125 = arith.constant 1.000000e+00 : f32
    %max3A_126 = vector.broadcast %max3A_125 : f32 to vector<20x2048xf32>
    %max3A_127 = arith.maximumf %add3A_124, %max3A_126 : vector<20x2048xf32>
    %iota3A = tpu.iota {dimensions = array<i32: 1>} : vector<20x2048xi32>
    %convert_element_type3A = arith.sitofp %iota3A : vector<20x2048xi32> to vector<20x2048xf32>
    %add3A_128 = arith.constant 5.000000e-01 : f32
    %add3A_129 = vector.broadcast %add3A_128 : f32 to vector<20x2048xf32>
    %add3A_130 = arith.addf %convert_element_type3A, %add3A_129 : vector<20x2048xf32>
    %mul3A = arith.constant 4.8828125E-4 : f32
    %mul3A_131 = vector.broadcast %mul3A : f32 to vector<20x2048xf32>
    %mul3A_132 = arith.mulf %add3A_130, %mul3A_131 : vector<20x2048xf32>
    %div3A = arith.divf %slice3A, %max3A_123 : vector<20x2048xf32>
    %sub3A_133 = vector.broadcast %slice3A_113 : vector<20x1xf32> to vector<20x2048xf32>
    %sub3A_134 = arith.subf %sub3A_133, %sub3A_117 : vector<20x2048xf32>
    %sub3A_135 = arith.subf %sub3A_134, %slice3A : vector<20x2048xf32>
    %div3A_136 = arith.constant 1.000000e+00 : f32
    %div3A_137 = vector.broadcast %div3A_136 : f32 to vector<20x2048xf32>
    %div3A_138 = arith.divf %div3A_137, %max3A_123 : vector<20x2048xf32>
    %div3A_139 = arith.constant 1.000000e+00 : f32
    %div3A_140 = vector.broadcast %div3A_139 : f32 to vector<20x2048xf32>
    %div3A_141 = arith.divf %div3A_140, %max3A_127 : vector<20x2048xf32>
    %sub3A_142 = arith.subf %div3A_138, %div3A_141 : vector<20x2048xf32>
    %mul3A_143 = arith.mulf %sub3A_135, %sub3A_142 : vector<20x2048xf32>
    %add3A_144 = arith.addf %div3A, %mul3A_143 : vector<20x2048xf32>
    %mul3A_145 = arith.mulf %mul3A_132, %add3A_144 : vector<20x2048xf32>
    %reduce_sum3A_146 = arith.constant dense<0.000000e+00> : vector<20xf32>
    %reduce_sum3A_147 = vector.multi_reduction <add>, %mul3A_145, %reduce_sum3A_146 [1] : vector<20x2048xf32> to vector<20xf32>
    %broadcast_in_dim3A_148 = vector.shape_cast %reduce_sum3A_147 : vector<20xf32> to vector<20x1xf32>
    %gt3A = arith.constant 0.000000e+00 : f32
    %gt3A_149 = vector.broadcast %gt3A : f32 to vector<20x2048xf32>
    %gt3A_150 = arith.cmpf ogt, %add3A, %gt3A_149 : vector<20x2048xf32>
    %jit3A = arith.constant 0.000000e+00 : f32
    %broadcast_in_dim3A_151 = vector.broadcast %jit3A : f32 to vector<20x2048xf32>
    %select_n3A = arith.select %gt3A_150, %mul3A_132, %broadcast_in_dim3A_151 : vector<20x2048xi1>, vector<20x2048xf32>
    %reduce_max3A = arith.constant dense<0xFF800000> : vector<20xf32>
    %reduce_max3A_152 = vector.multi_reduction <maximumf>, %select_n3A, %reduce_max3A [1] : vector<20x2048xf32> to vector<20xf32>
    %broadcast_in_dim3A_153 = vector.shape_cast %reduce_max3A_152 : vector<20xf32> to vector<20x1xf32>
    %gt3A_154 = arith.constant 0.000000e+00 : f32
    %gt3A_155 = vector.broadcast %gt3A_154 : f32 to vector<20x1xf32>
    %gt3A_156 = arith.cmpf ogt, %slice3A_113, %gt3A_155 : vector<20x1xf32>
    %select_n3A_157 = arith.select %gt3A_156, %broadcast_in_dim3A_148, %broadcast_in_dim3A_153 : vector<20x1xi1>, vector<20x1xf32>
    %reduce_sum3A_158 = arith.constant dense<0.000000e+00> : vector<1xf32>
    %reduce_sum3A_159 = vector.multi_reduction <add>, %select_n3A_157, %reduce_sum3A_158 [0] : vector<20x1xf32> to vector<1xf32>
    %broadcast_in_dim3A_160 = vector.shape_cast %reduce_sum3A_159 : vector<1xf32> to vector<1x1xf32>
    %mul3A_161 = arith.constant 5.000000e-02 : f32
    %mul3A_162 = vector.broadcast %mul3A_161 : f32 to vector<1x1xf32>
    %mul3A_163 = arith.mulf %broadcast_in_dim3A_160, %mul3A_162 : vector<1x1xf32>
    %swap3A = arith.constant 0 : index
    %swap3A_164 = arith.constant 0 : index
    %swap3A_165 = vector.load %arg1[%swap3A, %swap3A_164] : memref<1x1xf32, #tpu.memory_space<vmem>>, vector<1x1xf32>
    tpu.vector_store %arg1[%swap3A, %swap3A_164], %mul3A_163 {strides = array<i32>} : memref<1x1xf32, #tpu.memory_space<vmem>>, vector<1x1xf32>,
    return
  }
}

</mosaic_0001>

<sc_bundles>
// kernel: kernel.4.cloned.1.call-start
scs
__scs_entry_jumppad:
0x0: {  	(pc) =	sbr.rel $0x88, $3  }
0x1: {  	(tag) =	ssettag $0x0;
	lr =	simm.s32 $0x1  }
0x2: {  	[smem:$0x3F9F] =	sst lr;
	_ =	strace $0xD0000000  }
0x3: {  	_ = 	snop  }
0x4: {  	_ = 	snop  }
0x5: {  	_ = 	snop  }
0x6: {  	_ = 	snop  }
0x7: {  	_ = 	snop  }
__scs_overlays_trampoline_lowered:
0x8: {  	[smem:$0x3FAE] =	sst s0  }
0x9: {  	[smem:$0x3FAF] =	sst s1  }
0xa: {  	[smem:$0x3FB0] =	sst s2  }
0xb: {  	[smem:$0x3FB1] =	sst s3  }
0xc: {  	[smem:$0x3FB2] =	sst s4  }
0xd: {  	[smem:$0x3FB3] =	sst s5  }
0xe: {  	[smem:$0x3FB4] =	sst s6  }
0xf: {  	[smem:$0x3FB5] =	sst s7  }
0x10: {  	[smem:$0x3FB6] =	sst s8  }
0x11: {  	[smem:$0x3FB7] =	sst s9;
	s0 =	simm.s32 @!p0 $0x0  }
0x12: {  	s1 =	sld [smem:$0x3F9D];
	s0 =	simm.s32 @p0 $0x1  }
0x13: {  	[smem:$0x3FB8] =	sst s0;
	s0 =	simm.s32 @!p1 $0x0  }
0x14: {  	s2 =	sld [smem:$0x3F9C];
	s0 =	simm.s32 @p1 $0x1  }
0x15: {  	[smem:$0x3FB9] =	sst s0;
	s0 =	simm.s32 @!p2 $0x0  }
0x16: {  	s3 =	sld [smem:$0x3FDB];
	s0 =	simm.s32 @p2 $0x1  }
0x17: {  	s4 =	simm.s32 $0x1BF5;
	[smem:$0x3FBB] =	sst s0  }
0x18: {  	s0 =	sld [smem:$0x3F9E];
	_ =	swait.ge [sflag:s4], $0x0  }
0x19: {  	s7 =	sld [smem:$0x3F9F]  }
0x1a: {  	s8 =	sadd.s32 $0xFFFFE003, lr  }
0x1b: {  	s9 =	sadd.s32 $0xFFFFFEF7, lr;
	s5 =	simm.s32 $0xFFFFFFFF;
	p2 =	slt.u32 s8, $0xFFFFF086  }
0x1c: {  	p1 =	slt.u32 s9, $0xF7A;
	s5 =	simm.s32 @!p2 $0x0  }
0x1d: {  	s5 =	simm.s32 @p1 $0x1;
	p0 =	seq.s32 s7, s2  }
0x1e: {  	s7 =	smul.u32 @!p0 $0xF7A, s2;
	p2 =	seq.s32 @!p0 s5, $0x0  }
0x1f: {  	s9 =	smul.u32 $0xF7A, s1;
	s8 =	simm.s32 @!p0 $0x1BF5;
	p2 =	por !p2, p0  }
0x20: {  	[sflag:s8] =	ssyncset.s32 @!p0 $0xFFFFF086;
	s6 =	sadd.s32 @!p0 s3, s7;
	s7 =	simm.s32 @!p0 $0x108  }
0x21: {  	s3 =	sadd.s32 s3, s9;
	s6 =	sadd.s32 @!p0 $0x88, s6;
	s7 =	simm.s32 @p2 $0x1082  }
0x22: {  	[simem:s7], [sflag:s8] =	dma.local @!p0 [hbm:s6], $0xF7A  }
0x23: {  	s9 =	sor.u32 $0xD0000000, s2;
	s6 =	simm.s32 $0x108;
	_ =	swait.ge @!p0 [sflag:s8], $0x0  }
0x24: {  	s3 =	sadd.s32 $0x88, s3;
	s6 =	simm.s32 @!p1 $0x1082;
	[sflag:s4] =	ssyncset.s32 $0xFFFFF086  }
0x25: {  	[simem:s6], [sflag:s4] =	dma.local [hbm:s3], $0xF7A  }
0x26: {  	[smem:$0x3F9F] =	sst s1;
	(tag) =	ssettag s2;
	_ =	strace s9  }
0x27: {  	s1 =	sld [smem:$0x3FAF]  }
0x28: {  	s2 =	sld [smem:$0x3FB0]  }
0x29: {  	s4 =	sld [smem:$0x3FB2]  }
0x2a: {  	p0 =	seq.s32 s5, $0x0;
	s5 =	sld [smem:$0x3FB3]  }
0x2b: {  	s6 =	sld [smem:$0x3FB4]  }
0x2c: {  	s7 =	sld [smem:$0x3FB5]  }
0x2d: {  	s3 =	simm.s32 $0x108;
	s8 =	sld [smem:$0x3FB6]  }
0x2e: {  	s3 =	simm.s32 @!p0 $0x1082;
	s9 =	sld [smem:$0x3FB7]  }
0x2f: {  	lr =	sadd.s32 s0, s3;
	s0 =	sld [smem:$0x3FAE]  }
0x30: {  	s3 =	sld [smem:$0x3FB1]  }
0x31: {  	[smem:$0x3FBA] =	sst s10  }
0x32: {  	s10 =	sld [smem:$0x3FB8];
	_ =	sdelay $0x3  }
0x33: {  	p0 =	seq.s32 s10, $0x1;
	s10 =	sld [smem:$0x3FBA];
	_ =	sdelay $0x3  }
0x34: {  	[smem:$0x3FBA] =	sst s10  }
0x35: {  	s10 =	sld [smem:$0x3FB9];
	_ =	sdelay $0x3  }
0x36: {  	p1 =	seq.s32 s10, $0x1;
	s10 =	sld [smem:$0x3FBA];
	_ =	sdelay $0x3  }
0x37: {  	[smem:$0x3FBA] =	sst s10  }
0x38: {  	s10 =	sld [smem:$0x3FBB]  }
0x39: {  	_ = 	snop;
	(pc) =	sbr.ind lr, $3  }
0x3a: {  	_ = 	snop  }
0x3b: {  	_ = 	snop  }
0x3c: {  	p2 =	seq.s32 s10, $0x1;
	s10 =	sld [smem:$0x3FBA]  }
0x3d: {  	_ =	shalt  }
0x3e: {  	_ =	shalt  }
0x3f: {  	_ =	shalt  }
0x40: {  	_ =	shalt  }
0x41: {  	_ =	shalt  }
0x42: {  	_ =	shalt  }
0x43: {  	_ =	shalt  }
0x44: {  	_ =	shalt  }
0x45: {  	_ =	shalt  }
0x46: {  	_ =	shalt  }
0x47: {  	_ =	shalt  }
0x48: {  	_ =	shalt  }
0x49: {  	_ =	shalt  }
0x4a: {  	_ =	shalt  }
0x4b: {  	_ =	shalt  }
0x4c: {  	_ =	shalt  }
0x4d: {  	_ =	shalt  }
0x4e: {  	_ =	shalt  }
0x4f: {  	_ =	shalt  }
0x50: {  	_ =	shalt  }
0x51: {  	_ =	shalt  }
0x52: {  	_ =	shalt  }
0x53: {  	_ =	shalt  }
0x54: {  	_ =	shalt  }
0x55: {  	_ =	shalt  }
0x56: {  	_ =	shalt  }
0x57: {  	_ =	shalt  }
0x58: {  	_ =	shalt  }
0x59: {  	_ =	shalt  }
0x5a: {  	_ =	shalt  }
0x5b: {  	_ =	shalt  }
0x5c: {  	_ =	shalt  }
0x5d: {  	_ =	shalt  }
0x5e: {  	_ =	shalt  }
0x5f: {  	_ =	shalt  }
0x60: {  	_ =	shalt  }
0x61: {  	_ =	shalt  }
0x62: {  	_ =	shalt  }
0x63: {  	_ =	shalt  }
0x64: {  	_ =	shalt  }
0x65: {  	_ =	shalt  }
0x66: {  	_ =	shalt  }
0x67: {  	_ =	shalt  }
0x68: {  	_ =	shalt  }
0x69: {  	_ =	shalt  }
0x6a: {  	_ =	shalt  }
0x6b: {  	_ =	shalt  }
0x6c: {  	_ =	shalt  }
0x6d: {  	_ =	shalt  }
0x6e: {  	_ =	shalt  }
0x6f: {  	_ =	shalt  }
0x70: {  	_ =	shalt  }
0x71: {  	_ =	shalt  }
0x72: {  	_ =	shalt  }
0x73: {  	_ =	shalt  }
0x74: {  	_ =	shalt  }
0x75: {  	_ =	shalt  }
0x76: {  	_ =	shalt  }
0x77: {  	_ =	shalt  }
0x78: {  	_ =	shalt  }
0x79: {  	_ =	shalt  }
0x7a: {  	_ =	shalt  }
0x7b: {  	_ =	shalt  }
0x7c: {  	_ =	shalt  }
0x7d: {  	_ =	shalt  }
0x7e: {  	_ =	shalt  }
0x7f: {  	_ =	shalt  }
0x80: {  	_ =	shalt  }
0x81: {  	_ =	shalt  }
0x82: {  	_ =	shalt  }
0x83: {  	_ =	shalt  }
0x84: {  	_ =	shalt  }
0x85: {  	_ =	shalt  }
0x86: {  	_ =	shalt  }
0x87: {  	_ =	shalt  }
.Lfunc_end0:
.L_simem_size_0:
called_computation_lowered:
.L_overlay_start_0:
0x88: {  	s2 =	sld [smem:$0x3FD9]  }
0x89: {  	s3 =	sld [smem:$0x3FFE];
	_ =	sdelay $0x1  }
0x8a: {  	s1 =	srdreg.scid  }
0x8b: {  	s0 =	sand.u32 $0x1, s1  }
0x8c: {  	s17 =	sshll.u32 s0, $0xA;
	s2 =	sadd.s32 s3, s2  }
0x8d: {  	s2 =	sadd.s32 s2, s17  }
0x8e: {  	[smem:$0x3FC6] =	sst s2  }
0x8f: {  	_ = 	snop  }
0x90: {  	s2 =	sld [smem:$0x3FC9]  }
0x91: {  	s18 =	sld [smem:$0x3FC8];
	(tm) =	ssettm $0x1  }
0x92: {  	s4 =	sld [smem:$0x3FFB];
	_ =	sdelay $0x3  }
0x93: {  	_ =	strace s4  }
0x94: {  	s4 =	sld [smem:$0x3FFC];
	_ =	sdelay $0x3  }
0x95: {  	_ =	strace s4  }
0x96: {  	s4 =	sld [smem:$0x3FFD];
	_ =	sdelay $0x3  }
0x97: {  	_ =	strace s4  }
0x98: {  	_ =	strace $0x8FFFFFFF  }
0x99: {  	s19 =	sld [smem:$0x3FDB];
	_ =	sdelay $0x1  }
0x9a: {  	s5 =	simm.s32 $_scs_section_size  }
0x9b: {  	s6 =	simm.s32 $_size__tile_overlayer_lowered;
	s7 =	simm.s32 $_tile_overlayer_lowered  }
0x9c: {  	s22 =	simm.s32 $0x1BFF;
	s21 =	sshll.u32 s7, $0x1;
	s4 =	sadd.s32 s5, s19  }
0x9d: {  	s8 =	simm.s32 $0x0;
	s20 =	sshll.u32 s6, $0x1;
	s6 =	sadd.s32 s21, s4  }
0x9e: {  	[timem:s8], [sflag:s22] =	dma.local [hbm:s6], s20  }
0x9f: {  	_ =	swait.ge [sflag:s22], s20  }
0xa0: {  	s5 =	ssub.s32 $0x0, s20;
	[sflag:s22] =	ssyncset.done $0x0  }
0xa1: {  	[sflag:s22] =	ssyncadd.s32 s5;
	_ =	sdelay $0x1  }
0xa2: {  	s23 =	simm.s32 $0x1B8B  }
0xa3: {  	_ =	swait.ge [sflag:s23], $0x1  }
0xa4: {  	[sflag:s23] =	ssyncset.done $0x0  }
0xa5: {  	s25 =	simm.s32 $0x1B8E;
	s24 =	sld [smem:$0x3FFE];
	[sflag:s23] =	ssyncadd.s32 $0xFFFFFFFF  }
0xa6: {  	s26 =	simm.s32 $execute0_lowered;
	[smem:$0x3FD2] =	sst s25  }
0xa7: {  	s6 =	sshll.u32 s26, $0x1;
	_ =	strace $0x80000046;
	[dreg:$0x1] =	wrdreg $0xFFFFFFFF  }
0xa8: {  	s28 =	simm.s32 $_size_execute0_lowered;
	s4 =	sadd.s32 s4, s6;
	[dreg:$0x0] =	wrdreg $0x0  }
0xa9: {  	s6 =	sshll.u32 s28, $0x1;
	[dreg:$0x2] =	wrdreg s4  }
0xaa: {  	[dreg:$0x3] =	wrdreg s6  }
0xab: {  	[dreg:$0x4] =	wrdreg $0xC0  }
0xac: {  	_ =	task [dreg:s8], $0x5FFFF  }
0xad: {  	[dreg:$0x1] =	wrdreg $0xFFFFFFFF  }
0xae: {  	[dreg:$0x0] =	wrdreg $0x60  }
0xaf: {  	[dreg:$0x2] =	wrdreg s2  }
0xb0: {  	[dreg:$0x3] =	wrdreg s18  }
0xb1: {  	[dreg:$0x4] =	wrdreg s24  }
0xb2: {  	[dreg:$0x5] =	wrdreg $0x9  }
0xb3: {  	_ =	task.clear_ibuf [dreg:s8], $0x6FFFF;
	_ =	strace $0x90000046  }
0xb4: {  	s29 =	simm.s32 $0x9;
	_ =	strace $0x80000048  }
0xb5: {  	_ =	swait.ge [sflag:s29], $0x1  }
0xb6: {  	[sflag:s29] =	ssyncadd.s32 $0xFFFFFFFF  }
0xb7: {  	_ =	strace $0x90000048  }
0xb8: {  	_ =	sfence  }
0xb9: {  	s30 =	sld [smem:$0x0];
	_ =	sdelay $0x2  }
0xba: {  	s31 =	sshll.u32 s1, $0xD;
	s1 =	sshrl.u32 s1, $0x2  }
0xbb: {  	s3 =	sand.u32 $0x4000, s31;
	s1 =	sadd.s32 s1, s30  }
0xbc: {  	s0 =	sor.u32 s3, s0;
	s1 =	sshll.u32 s1, $0x11  }
0xbd: {  	s0 =	sor.u32 s1, s0  }
0xbe: {  	s0 =	sadd.s32 $0x8F2B, s0  }
0xbf: {  	[sflag:s0] =	ssyncadd.remote.s32 $0x1  }
0xc0: {  	_ =	sfence.sel $0xFFFF  }
0xc1: {  	[dreg:$0x0] =	wrdreg $0xFFFFFFFF;
	(pc) =	sbr.abs _section_cstart, $3  }
0xc2: {  	[dreg:$0x1] =	wrdreg $0xFFFFFFFF  }
0xc3: {  	_ =	task.clear_ibuf [dreg:s8], $0x2FFFF;
	_ =	strace $0x9FFFFFFF  }
0xc4: {  	(tm) =	ssettm $0x7FFFFFFF  }
0xc5: {  	_ =	shalt  }
tec
execute0_lowered:
.L_overlay_start_1:
0x0: {  	(tag) =	ssettag $0x1  }
0x1: {  	s1 =	rddreg [dreg:$0x0]  }
0x2: {  	s0 =	rddreg [dreg:$0x1]  }
0x3: {  	s2 =	rddreg [dreg:$0x2];
	s5 =	simm.s32 $0x0  }
0x4: {  	s3 =	srdreg.scid;
	s4 =	stileid.u32;
	s15 =	simm.s32 $0x2000  }
0x5: {  	s17 =	simm.s32 $0x5;
	s18 =	simm.s32 $0x500000;
	s19 =	simm.s32 $0x8000  }
0x6: {  	s20 =	simm.s32 $0x1;
	s21 =	simm.s32 $0x10000;
	s22 =	simm.s32 $0x18000  }
0x7: {  	s28 =	simm.s32 $0x3;
	s29 =	simm.s32 $0x4;
	s30 =	simm.s32 $0x0  }
0x8: {  	[smem:$0x7FF] =	sst s5;
	s3 =	sand.u32 $0x1, s3;
	s4 =	sshll.u32 s4, $0x1  }
0x9: {  	_ =	strace $0x80000047;
	s6 =	ssub.s32 $0x2, s3;
	s3 =	sor.u32 s3, s4  }
0xa: {  	s4 =	sadd.s32 $0x600, s2;
	s23 =	sshrl.u32 s6, $0x1;
	s5 =	smul.u32 $0x18000, s3  }
0xb: {  	s2 =	ssub.s32 s6, s23;
	s6 =	sshll.u32 s3, $0xD;
	s3 =	sshll.u32 s3, $0xA  }
0xc: {  	s23 =	simm.s32 $0x80;
	s0 =	sadd.s32 s0, s3;
	s8 =	sadd.s32 s1, s3  }
0xd: {  	s24 =	sshrl.u32 s5, $0x3;
	s31 =	smax.u32 s2, $0x1;
	[dreg:$0x4] =	wrdreg s0  }
0xe: {  	s13 =	sor.u32 $0x80000, s6;
	s3 =	sadd.s32 $0x8000, s8;
	[dreg:$0x8] =	wrdreg s31  }
0xf: {  	s10 =	sadd.s32 s4, s24;
	s25 =	sadd.s32 $0x10000, s8;
	[dreg:$0x5] =	wrdreg s3  }
0x10: {  	s24 =	simm.s32 $0x400;
	[dreg:$0x6] =	wrdreg s25;
	s26 =	sadd.s32 $0x10, s10  }
0x11: {  	v0 =	vimm.f32 $0.0e+00;
	v1 =	vimm.f32 $1.000000000e+00;
	s25 =	simm.s32 $0x2;
	[dreg:$0x7] =	wrdreg s26;
	s26 =	simm.s32 $0x19000  }
.LBB2_1:
0x12: {  	s0 =	simm.s32 $0x0;
	s2 =	rddreg [dreg:$0x4];
	s3 =	simm.s32 $0x40000  }
0x13: {  	[tilespmem:s0], [sflag:$0x5] =	stream.strided.gather [hbm4b:s2+s15], $0x8000, s3, s15, $0x38;
	[tilespmem:$0x1A000] =	vst v63  }
0x14: {  	_ =	swait.ge [sflag:s17], $0x8000  }
0x15: {  	[sflag:s17] =	ssyncset.done $0x0  }
0x16: {  	[sflag:s17] =	ssyncadd.s32 $0xFFFF8000  }
0x17: {  	[tilespmem:s19], [sflag:$0x1] =	stream.strided.gather [hbm4b:s8+s15], $0x8000, s18, s15, $0x38;
	[tilespmem:$0x1A000] =	vst v63  }
0x18: {  	_ =	swait.ge [sflag:s20], $0x8000  }
0x19: {  	[sflag:s20] =	ssyncset.done $0x0  }
0x1a: {  	s0 =	simm.s32 $0x18040;
	s31 =	rddreg [dreg:$0x5];
	[sflag:s20] =	ssyncadd.s32 $0xFFFF8000  }
0x1b: {  	[tilespmem:s21], [sflag:$0x2] =	stream.strided.gather [hbm4b:s31+s15], $0x8000, s18, s15, $0x38;
	[tilespmem:$0x1A000] =	vst v63  }
0x1c: {  	[tilespmem:s0+$0xFFFFFFC0] =	vst v0  }
0x1d: {  	[tilespmem:s0+$0x30] =	vst v0  }
0x1e: {  	[tilespmem:s0+$0x20] =	vst v0  }
0x1f: {  	[tilespmem:s0+$0x10] =	vst v0  }
0x20: {  	[tilespmem:s0+$0x0] =	vst v0  }
0x21: {  	[tilespmem:s0+$0xFFFFFFF0] =	vst v0  }
0x22: {  	s2 =	simm.s32 $0x0;
	[tilespmem:s0+$0xFFFFFFE0] =	vst v0  }
.LBB2_2:
0x23: {  	s2 =	sadd.s32 $0x8, s2;
	[tilespmem:s0+$0xFFFFFFD0] =	vst v0;
	s0 =	sadd.s32 $0x80, s0  }
0x24: {  	[tilespmem:s0+$0xFFFFFFC0] =	vst v0;
	p0 =	slt.u32 s2, $0xF8  }
0x25: {  	[tilespmem:s0+$0x30] =	vst v0  }
.Ltmp0:
0x26: {  	[tilespmem:s0+$0x20] =	vst v0;
	(pc) =	sbr.rel @p0 .LBB2_2-.Ltmp0, $4  }
0x27: {  	[tilespmem:s0+$0x10] =	vst v0  }
0x28: {  	[tilespmem:s0+$0x0] =	vst v0  }
0x29: {  	[tilespmem:s0+$0xFFFFFFF0] =	vst v0  }
0x2a: {  	[tilespmem:s0+$0xFFFFFFE0] =	vst v0  }
0x2b: {  	s2 =	simm.s32 $0x0  }
0x2c: {  	s3 =	sand.u32 $0x7000, s2;
	s7 =	sand.u32 $0xC00, s2  }
0x2d: {  	s2 =	sand.u32 $0x380, s2;
	s3 =	sor.u32 s7, s3  }
0x2e: {  	[tilespmem:s0+$0xFFFFFFD0] =	vst v0;
	s0 =	sor.u32 s2, s3  }
0x2f: {  	v2 =	vld [tilespmem:s0+$0x8040]  }
0x30: {  	v3 =	vld [tilespmem:s0+$0x8060]  }
0x31: {  	v4 =	vld [tilespmem:s0+$0x8010]  }
0x32: {  	v5 =	vld [tilespmem:s0+$0x40]  }
0x33: {  	v6 =	vld [tilespmem:s0+$0x8050]  }
0x34: {  	v11 =	vld [tilespmem:s0+$0x10]  }
0x35: {  	v2 =	vmul.f32 $2.047999510e+03, v2  }
0x36: {  	v10 =	vld [tilespmem:s0+$0x8070];
	v3 =	vmul.f32 $2.047999510e+03, v3  }
0x37: {  	v8 =	vld [tilespmem:s0+$0x50];
	v4 =	vmul.f32 $2.047999510e+03, v4;
	v2 =	vtrunc.f32 v2  }
0x38: {  	v12 =	vld [tilespmem:s0+$0x8020];
	vm0 =	veq.s32 v5, $0x0;
	v13 =	vmul.f32 $2.047999510e+03, v6;
	v2 =	vcvt.f32.s32 v2  }
0x39: {  	v9 =	vld [tilespmem:s0+$0x60];
	vm1 =	veq.s32 v11, $0x0;
	v3 =	vtrunc.f32 v3;
	v4 =	vtrunc.f32 v4  }
0x3a: {  	v7 =	vld [tilespmem:s0+$0x8030];
	v14 =	vcvt.f32.s32 v4;
	v6 =	vcvt.f32.s32 v3;
	v5 =	vsub.s32 $0xFFF, v2  }
0x3b: {  	v4 =	vsel vm0, v5, v2;
	v2 =	vtrunc.f32 v13;
	v5 =	vld [tilespmem:s0+$0x70];
	v13 =	vmul.f32 $2.047999510e+03, v10  }
0x3c: {  	s9 =	simm.s32 $0x80;
	v3 =	vld [tilespmem:s0+$0x0];
	vm0 =	veq.s32 v8, $0x0;
	v8 =	vsub.s32 $0xFFF, v14;
	v10 =	vcvt.f32.s32 v2  }
0x3d: {  	s7 =	simm.s32 $0x400;
	s2 =	simm.s32 $0x0;
	s3 =	simm.s32 $0x20;
	v11 =	vmul.f32 $2.047999510e+03, v12;
	v2 =	vsel vm1, v8, v14;
	v8 =	vld [tilespmem:s0+$0x20];
	v12 =	vtrunc.f32 v13  }
.LBB2_4:
0x3e: {  	s11 =	sand.u32 $0x7000, s9;
	s16 =	sand.u32 $0xC00, s7;
	s2 =	sadd.s32 $0x8, s2;
	v13 =	vld [tilespmem:s0+$0x30];
	v14 =	vsub.s32 $0xFFF, v10;
	vm1 =	veq.s32 v9, $0x0;
	v9 =	vcvt.f32.s32 v12  }
0x3f: {  	s11 =	sor.u32 s16, s11;
	s16 =	sand.u32 $0x380, s3;
	p0 =	slt.u32 s2, $0x7F8;
	v12 =	vld [tilespmem:s0+$0x8000];
	v11 =	vtrunc.f32 v11;
	v10 =	vsel vm0, v14, v10;
	v14 =	vsub.s32 $0xFFF, v6  }
0x40: {  	s0 =	sor.u32 s16, s11;
	[tilespmem:v4+s22+$0x0] =	vst.idx.add.f32.msk $0xffff, v1;
	v4 =	vsel vm1, v14, v6;
	vm0 =	veq.s32 v5, $0x0;
	v5 =	vsub.s32 $0xFFF, v9  }
0x41: {  	v7 =	vmul.f32 $2.047999510e+03, v7;
	v6 =	vcvt.f32.s32 v11;
	v14 =	vld [tilespmem:s0+$0x10];
	v5 =	vsel vm0, v5, v9  }
0x42: {  	v11 =	vld [tilespmem:s0+$0x50]  }
0x43: {  	v7 =	vtrunc.f32 v7;
	vm0 =	veq.s32 v8, $0x0;
	v8 =	vsub.s32 $0xFFF, v6;
	v9 =	vld [tilespmem:s0+$0x40]  }
0x44: {  	v7 =	vcvt.f32.s32 v7;
	v6 =	vsel vm0, v8, v6;
	v12 =	vmul.f32 $2.047999510e+03, v12;
	[tilespmem:v10+s22+$0x0] =	vst.idx.add.f32.msk $0xffff, v1  }
0x45: {  	v8 =	vld [tilespmem:s0+$0x8070]  }
0x46: {  	vm0 =	veq.s32 v13, $0x0;
	v13 =	vsub.s32 $0xFFF, v7;
	v10 =	vld [tilespmem:s0+$0x8040];
	v12 =	vtrunc.f32 v12  }
0x47: {  	v7 =	vsel vm0, v13, v7;
	v12 =	vcvt.f32.s32 v12;
	[tilespmem:v4+s22+$0x0] =	vst.idx.add.f32.msk $0xffff, v1  }
0x48: {  	v4 =	vld [tilespmem:s0+$0x8060]  }
0x49: {  	vm0 =	veq.s32 v3, $0x0;
	v13 =	vld [tilespmem:s0+$0x8010];
	v3 =	vsub.s32 $0xFFF, v12  }
0x4a: {  	v15 =	vld [tilespmem:s0+$0x8050];
	v3 =	vsel vm0, v3, v12  }
0x4b: {  	v12 =	vld [tilespmem:s0+$0x8020];
	v10 =	vmul.f32 $2.047999510e+03, v10  }
0x4c: {  	[tilespmem:v7+s22+$0x0] =	vst.idx.add.f32.msk $0xffff, v1  }
0x4d: {  	v7 =	vtrunc.f32 v10;
	[tilespmem:v6+s22+$0x0] =	vst.idx.add.f32.msk $0xffff, v1  }
0x4e: {  	v4 =	vmul.f32 $2.047999510e+03, v4;
	v6 =	vmul.f32 $2.047999510e+03, v13;
	[tilespmem:v5+s22+$0x0] =	vst.idx.add.f32.msk $0xffff, v1  }
0x4f: {  	v5 =	vcvt.f32.s32 v7;
	[tilespmem:v3+s22+$0x0] =	vst.idx.add.f32.msk $0xffff, v1  }
0x50: {  	vm0 =	veq.s32 v9, $0x0;
	v3 =	vtrunc.f32 v4;
	[tilespmem:v2+s22+$0x0] =	vst.idx.add.f32.msk $0xffff, v1  }
.Ltmp1:
0x51: {  	v10 =	vmul.f32 $2.047999510e+03, v15;
	v2 =	vtrunc.f32 v6;
	v4 =	vsub.s32 $0xFFF, v5;
	v9 =	vld [tilespmem:s0+$0x60];
	(pc) =	sbr.rel @p0 .LBB2_4-.Ltmp1, $4  }
0x52: {  	v6 =	vcvt.f32.s32 v3;
	v2 =	vcvt.f32.s32 v2;
	v4 =	vsel vm0, v4, v5;
	v7 =	vld [tilespmem:s0+$0x8030]  }
0x53: {  	v13 =	vmul.f32 $2.047999510e+03, v8;
	v10 =	vtrunc.f32 v10;
	vm0 =	veq.s32 v11, $0x0;
	v5 =	vld [tilespmem:s0+$0x70]  }
0x54: {  	vm1 =	veq.s32 v14, $0x0;
	v10 =	vcvt.f32.s32 v10;
	v8 =	vsub.s32 $0xFFF, v2;
	v3 =	vld [tilespmem:s0+$0x0]  }
0x55: {  	s7 =	sadd.s32 $0x400, s7;
	s9 =	sadd.s32 $0x80, s9;
	s3 =	sadd.s32 $0x20, s3;
	v11 =	vmul.f32 $2.047999510e+03, v12;
	v12 =	vtrunc.f32 v13;
	v2 =	vsel vm1, v8, v2;
	v8 =	vld [tilespmem:s0+$0x20]  }
0x56: {  	v13 =	vld [tilespmem:s0+$0x8000];
	_ =	sdelay $0x1  }
0x57: {  	vm1 =	veq.s32 v9, $0x0  }
0x58: {  	v56 =	vsub.s32 $0xFFF, v10;
	v12 =	vcvt.f32.s32 v12;
	v57 =	vsub.s32 $0xFFF, v6  }
0x59: {  	v14 =	vld [tilespmem:s0+$0x30];
	v7 =	vmul.f32 $2.047999510e+03, v7;
	v11 =	vtrunc.f32 v11;
	v9 =	vsel vm0, v56, v10  }
0x5a: {  	v6 =	vsel vm1, v57, v6;
	v58 =	vcvt.f32.s32 v11;
	v13 =	vmul.f32 $2.047999510e+03, v13  }
0x5b: {  	vm14 =	veq.s32 v5, $0x0;
	v62 =	vsub.s32 $0xFFF, v12;
	v7 =	vtrunc.f32 v7  }
0x5c: {  	v63 =	vsel vm14, v62, v12;
	v7 =	vcvt.f32.s32 v7;
	v59 =	vtrunc.f32 v13  }
0x5d: {  	vm12 =	veq.s32 v8, $0x0;
	v61 =	vsub.s32 $0xFFF, v58;
	v8 =	vcvt.f32.s32 v59  }
0x5e: {  	[tilespmem:v4+s22+$0x0] =	vst.idx.add.f32.msk $0xffff, v1;
	vm13 =	veq.s32 v14, $0x0;
	v10 =	vsel vm12, v61, v58;
	v60 =	vsub.s32 $0xFFF, v7  }
0x5f: {  	[tilespmem:v2+s22+$0x0] =	vst.idx.add.f32.msk $0xffff, v1;
	vm15 =	veq.s32 v3, $0x0;
	v7 =	vsel vm13, v60, v7;
	v3 =	vsub.s32 $0xFFF, v8  }
0x60: {  	[tilespmem:v9+s22+$0x0] =	vst.idx.add.f32.msk $0xffff, v1;
	v3 =	vsel vm15, v3, v8  }
0x61: {  	[tilespmem:v6+s22+$0x0] =	vst.idx.add.f32.msk $0xffff, v1  }
0x62: {  	[tilespmem:v63+s22+$0x0] =	vst.idx.add.f32.msk $0xffff, v1  }
0x63: {  	[tilespmem:v10+s22+$0x0] =	vst.idx.add.f32.msk $0xffff, v1  }
0x64: {  	[tilespmem:v7+s22+$0x0] =	vst.idx.add.f32.msk $0xffff, v1  }
0x65: {  	[tilespmem:v3+s22+$0x0] =	vst.idx.add.f32.msk $0xffff, v1  }
0x66: {  	[hbm4b:s10+s23] =	stream.strided.scatter [tilespmem:s22], [sflag:$0x3], $0x1000, s24, s23, $0x38;
	[tilespmem:$0x1A000] =	vst v63  }
0x67: {  	_ =	swait.ge [sflag:s25], $0x8000  }
0x68: {  	[sflag:s25] =	ssyncset.done $0x0  }
0x69: {  	s0 =	simm.s32 $0x19040;
	s31 =	rddreg [dreg:$0x6];
	[sflag:s25] =	ssyncadd.s32 $0xFFFF8000  }
0x6a: {  	[tilespmem:s19], [sflag:$0x1] =	stream.strided.gather [hbm4b:s31+s15], $0x8000, s18, s15, $0x38;
	[tilespmem:$0x1A000] =	vst v63  }
0x6b: {  	[tilespmem:s0+$0xFFFFFFC0] =	vst v0  }
0x6c: {  	[tilespmem:s0+$0x30] =	vst v0  }
0x6d: {  	[tilespmem:s0+$0x20] =	vst v0  }
0x6e: {  	[tilespmem:s0+$0x10] =	vst v0  }
0x6f: {  	[tilespmem:s0+$0x0] =	vst v0  }
0x70: {  	[tilespmem:s0+$0xFFFFFFF0] =	vst v0  }
0x71: {  	s2 =	simm.s32 $0x0;
	[tilespmem:s0+$0xFFFFFFE0] =	vst v0  }
.LBB2_6:
0x72: {  	s2 =	sadd.s32 $0x8, s2;
	[tilespmem:s0+$0xFFFFFFD0] =	vst v0;
	s0 =	sadd.s32 $0x80, s0  }
0x73: {  	[tilespmem:s0+$0xFFFFFFC0] =	vst v0;
	p0 =	slt.u32 s2, $0xF8  }
0x74: {  	[tilespmem:s0+$0x30] =	vst v0  }
.Ltmp2:
0x75: {  	[tilespmem:s0+$0x20] =	vst v0;
	(pc) =	sbr.rel @p0 .LBB2_6-.Ltmp2, $4  }
0x76: {  	[tilespmem:s0+$0x10] =	vst v0  }
0x77: {  	[tilespmem:s0+$0x0] =	vst v0  }
0x78: {  	[tilespmem:s0+$0xFFFFFFF0] =	vst v0  }
0x79: {  	[tilespmem:s0+$0xFFFFFFE0] =	vst v0  }
0x7a: {  	s2 =	simm.s32 $0x0  }
0x7b: {  	s3 =	sand.u32 $0x7000, s2;
	s7 =	sand.u32 $0xC00, s2  }
0x7c: {  	s2 =	sand.u32 $0x380, s2;
	s3 =	sor.u32 s7, s3  }
0x7d: {  	[tilespmem:s0+$0xFFFFFFD0] =	vst v0;
	s0 =	sor.u32 s2, s3  }
0x7e: {  	v2 =	vld [tilespmem:s0+$0x10040]  }
0x7f: {  	v3 =	vld [tilespmem:s0+$0x10060]  }
0x80: {  	v4 =	vld [tilespmem:s0+$0x10010]  }
0x81: {  	v5 =	vld [tilespmem:s0+$0x40]  }
0x82: {  	v6 =	vld [tilespmem:s0+$0x10050]  }
0x83: {  	v11 =	vld [tilespmem:s0+$0x10]  }
0x84: {  	v2 =	vmul.f32 $2.047999510e+03, v2  }
0x85: {  	v10 =	vld [tilespmem:s0+$0x10070];
	v3 =	vmul.f32 $2.047999510e+03, v3  }
0x86: {  	v8 =	vld [tilespmem:s0+$0x50];
	v4 =	vmul.f32 $2.047999510e+03, v4;
	v2 =	vtrunc.f32 v2  }
0x87: {  	v12 =	vld [tilespmem:s0+$0x10020];
	vm0 =	veq.s32 v5, $0x1;
	v13 =	vmul.f32 $2.047999510e+03, v6;
	v2 =	vcvt.f32.s32 v2  }
0x88: {  	v9 =	vld [tilespmem:s0+$0x60];
	vm1 =	veq.s32 v11, $0x1;
	v3 =	vtrunc.f32 v3;
	v4 =	vtrunc.f32 v4  }
0x89: {  	v7 =	vld [tilespmem:s0+$0x10030];
	v14 =	vcvt.f32.s32 v4;
	v6 =	vcvt.f32.s32 v3;
	v5 =	vsub.s32 $0xFFF, v2  }
0x8a: {  	v4 =	vsel vm0, v5, v2;
	v2 =	vtrunc.f32 v13;
	v5 =	vld [tilespmem:s0+$0x70];
	v13 =	vmul.f32 $2.047999510e+03, v10  }
0x8b: {  	s9 =	simm.s32 $0x80;
	v3 =	vld [tilespmem:s0+$0x0];
	vm0 =	veq.s32 v8, $0x1;
	v8 =	vsub.s32 $0xFFF, v14;
	v10 =	vcvt.f32.s32 v2  }
0x8c: {  	s7 =	simm.s32 $0x400;
	s2 =	simm.s32 $0x0;
	s3 =	simm.s32 $0x20;
	v11 =	vmul.f32 $2.047999510e+03, v12;
	v2 =	vsel vm1, v8, v14;
	v8 =	vld [tilespmem:s0+$0x20];
	v12 =	vtrunc.f32 v13  }
.LBB2_8:
0x8d: {  	s11 =	sand.u32 $0x7000, s9;
	s16 =	sand.u32 $0xC00, s7;
	s2 =	sadd.s32 $0x8, s2;
	v13 =	vld [tilespmem:s0+$0x30];
	v14 =	vsub.s32 $0xFFF, v10;
	vm1 =	veq.s32 v9, $0x1;
	v9 =	vcvt.f32.s32 v12  }
0x8e: {  	s11 =	sor.u32 s16, s11;
	s16 =	sand.u32 $0x380, s3;
	p0 =	slt.u32 s2, $0x7F8;
	v12 =	vld [tilespmem:s0+$0x10000];
	v11 =	vtrunc.f32 v11;
	v10 =	vsel vm0, v14, v10;
	v14 =	vsub.s32 $0xFFF, v6  }
0x8f: {  	s0 =	sor.u32 s16, s11;
	[tilespmem:v4+s26+$0x0] =	vst.idx.add.f32.msk $0xffff, v1;
	v4 =	vsel vm1, v14, v6;
	vm0 =	veq.s32 v5, $0x1;
	v5 =	vsub.s32 $0xFFF, v9  }
0x90: {  	v7 =	vmul.f32 $2.047999510e+03, v7;
	v6 =	vcvt.f32.s32 v11;
	v14 =	vld [tilespmem:s0+$0x10];
	v5 =	vsel vm0, v5, v9  }
0x91: {  	v11 =	vld [tilespmem:s0+$0x50]  }
0x92: {  	v7 =	vtrunc.f32 v7;
	vm0 =	veq.s32 v8, $0x1;
	v8 =	vsub.s32 $0xFFF, v6;
	v9 =	vld [tilespmem:s0+$0x40]  }
0x93: {  	v7 =	vcvt.f32.s32 v7;
	v6 =	vsel vm0, v8, v6;
	v12 =	vmul.f32 $2.047999510e+03, v12;
	[tilespmem:v10+s26+$0x0] =	vst.idx.add.f32.msk $0xffff, v1  }
0x94: {  	v8 =	vld [tilespmem:s0+$0x10070]  }
0x95: {  	vm0 =	veq.s32 v13, $0x1;
	v13 =	vsub.s32 $0xFFF, v7;
	v10 =	vld [tilespmem:s0+$0x10040];
	v12 =	vtrunc.f32 v12  }
0x96: {  	v7 =	vsel vm0, v13, v7;
	v12 =	vcvt.f32.s32 v12;
	[tilespmem:v4+s26+$0x0] =	vst.idx.add.f32.msk $0xffff, v1  }
0x97: {  	v4 =	vld [tilespmem:s0+$0x10060]  }
0x98: {  	vm0 =	veq.s32 v3, $0x1;
	v13 =	vld [tilespmem:s0+$0x10010];
	v3 =	vsub.s32 $0xFFF, v12  }
0x99: {  	v15 =	vld [tilespmem:s0+$0x10050];
	v3 =	vsel vm0, v3, v12  }
0x9a: {  	v12 =	vld [tilespmem:s0+$0x10020];
	v10 =	vmul.f32 $2.047999510e+03, v10  }
0x9b: {  	[tilespmem:v7+s26+$0x0] =	vst.idx.add.f32.msk $0xffff, v1  }
0x9c: {  	v7 =	vtrunc.f32 v10;
	[tilespmem:v6+s26+$0x0] =	vst.idx.add.f32.msk $0xffff, v1  }
0x9d: {  	v4 =	vmul.f32 $2.047999510e+03, v4;
	v6 =	vmul.f32 $2.047999510e+03, v13;
	[tilespmem:v5+s26+$0x0] =	vst.idx.add.f32.msk $0xffff, v1  }
0x9e: {  	v5 =	vcvt.f32.s32 v7;
	[tilespmem:v3+s26+$0x0] =	vst.idx.add.f32.msk $0xffff, v1  }
0x9f: {  	vm0 =	veq.s32 v9, $0x1;
	v3 =	vtrunc.f32 v4;
	[tilespmem:v2+s26+$0x0] =	vst.idx.add.f32.msk $0xffff, v1  }
.Ltmp3:
0xa0: {  	v10 =	vmul.f32 $2.047999510e+03, v15;
	v2 =	vtrunc.f32 v6;
	v4 =	vsub.s32 $0xFFF, v5;
	v9 =	vld [tilespmem:s0+$0x60];
	(pc) =	sbr.rel @p0 .LBB2_8-.Ltmp3, $4  }
0xa1: {  	v6 =	vcvt.f32.s32 v3;
	v2 =	vcvt.f32.s32 v2;
	v4 =	vsel vm0, v4, v5;
	v7 =	vld [tilespmem:s0+$0x10030]  }
0xa2: {  	v13 =	vmul.f32 $2.047999510e+03, v8;
	v10 =	vtrunc.f32 v10;
	vm0 =	veq.s32 v11, $0x1;
	v5 =	vld [tilespmem:s0+$0x70]  }
0xa3: {  	vm1 =	veq.s32 v14, $0x1;
	v10 =	vcvt.f32.s32 v10;
	v8 =	vsub.s32 $0xFFF, v2;
	v3 =	vld [tilespmem:s0+$0x0]  }
0xa4: {  	s7 =	sadd.s32 $0x400, s7;
	s9 =	sadd.s32 $0x80, s9;
	s3 =	sadd.s32 $0x20, s3;
	v11 =	vmul.f32 $2.047999510e+03, v12;
	v12 =	vtrunc.f32 v13;
	v2 =	vsel vm1, v8, v2;
	v8 =	vld [tilespmem:s0+$0x20]  }
0xa5: {  	v13 =	vld [tilespmem:s0+$0x10000];
	_ =	sdelay $0x1  }
0xa6: {  	vm1 =	veq.s32 v9, $0x1  }
0xa7: {  	v56 =	vsub.s32 $0xFFF, v10;
	v12 =	vcvt.f32.s32 v12;
	v57 =	vsub.s32 $0xFFF, v6  }
0xa8: {  	v14 =	vld [tilespmem:s0+$0x30];
	v7 =	vmul.f32 $2.047999510e+03, v7;
	v11 =	vtrunc.f32 v11;
	v9 =	vsel vm0, v56, v10  }
0xa9: {  	v6 =	vsel vm1, v57, v6;
	v58 =	vcvt.f32.s32 v11;
	v13 =	vmul.f32 $2.047999510e+03, v13  }
0xaa: {  	vm14 =	veq.s32 v5, $0x1;
	v62 =	vsub.s32 $0xFFF, v12;
	v7 =	vtrunc.f32 v7  }
0xab: {  	v63 =	vsel vm14, v62, v12;
	v7 =	vcvt.f32.s32 v7;
	v59 =	vtrunc.f32 v13  }
0xac: {  	vm12 =	veq.s32 v8, $0x1;
	v61 =	vsub.s32 $0xFFF, v58;
	v8 =	vcvt.f32.s32 v59  }
0xad: {  	[tilespmem:v4+s26+$0x0] =	vst.idx.add.f32.msk $0xffff, v1;
	vm13 =	veq.s32 v14, $0x1;
	v10 =	vsel vm12, v61, v58;
	v60 =	vsub.s32 $0xFFF, v7  }
0xae: {  	[tilespmem:v2+s26+$0x0] =	vst.idx.add.f32.msk $0xffff, v1;
	vm15 =	veq.s32 v3, $0x1;
	v7 =	vsel vm13, v60, v7;
	v3 =	vsub.s32 $0xFFF, v8  }
0xaf: {  	[tilespmem:v9+s26+$0x0] =	vst.idx.add.f32.msk $0xffff, v1;
	v3 =	vsel vm15, v3, v8  }
0xb0: {  	[tilespmem:v6+s26+$0x0] =	vst.idx.add.f32.msk $0xffff, v1  }
0xb1: {  	[tilespmem:v63+s26+$0x0] =	vst.idx.add.f32.msk $0xffff, v1  }
0xb2: {  	[tilespmem:v10+s26+$0x0] =	vst.idx.add.f32.msk $0xffff, v1  }
0xb3: {  	[tilespmem:v7+s26+$0x0] =	vst.idx.add.f32.msk $0xffff, v1  }
0xb4: {  	[tilespmem:v3+s26+$0x0] =	vst.idx.add.f32.msk $0xffff, v1  }
0xb5: {  	s31 =	simm.s32 $0x1;
	s16 =	rddreg [dreg:$0x7]  }
0xb6: {  	[hbm4b:s16+s23] =	stream.strided.scatter [tilespmem:s26], [sflag:$0x4], $0x1000, s24, s23, $0x38;
	[tilespmem:$0x1A000] =	vst v63  }
.LBB2_10:
0xb7: {  	s0 =	sshllo.u32 s31, $0x1  }
0xb8: {  	s2 =	sshll.u32 s0, $0x12  }
0xb9: {  	_ =	swait.ge [sflag:s20], $0x8000;
	s2 =	sor.u32 s6, s2  }
0xba: {  	[sflag:s20] =	ssyncset.done $0x0;
	s2 =	sshrl.u32 s2, $0x3  }
0xbb: {  	[sflag:s20] =	ssyncadd.s32 $0xFFFF8000;
	s2 =	sadd.s32 s1, s2  }
0xbc: {  	[tilespmem:s21], [sflag:$0x2] =	stream.strided.gather [hbm4b:s2+s15], $0x8000, s18, s15, $0x38;
	[tilespmem:$0x1A000] =	vst v63  }
0xbd: {  	_ =	swait.ge [sflag:s28], $0x1000  }
0xbe: {  	[sflag:s28] =	ssyncset.done $0x0  }
0xbf: {  	s2 =	simm.s32 $0x18040;
	[sflag:s28] =	ssyncadd.s32 $0xFFFFF000  }
0xc0: {  	[tilespmem:s2+$0xFFFFFFC0] =	vst v0  }
0xc1: {  	[tilespmem:s2+$0x30] =	vst v0  }
0xc2: {  	[tilespmem:s2+$0x20] =	vst v0  }
0xc3: {  	[tilespmem:s2+$0x10] =	vst v0  }
0xc4: {  	[tilespmem:s2+$0x0] =	vst v0  }
0xc5: {  	[tilespmem:s2+$0xFFFFFFF0] =	vst v0  }
0xc6: {  	s16 =	sshll.u32 s31, $0x1;
	s3 =	simm.s32 $0x0;
	[tilespmem:s2+$0xFFFFFFE0] =	vst v0  }
.LBB2_11:
0xc7: {  	s3 =	sadd.s32 $0x8, s3;
	[tilespmem:s2+$0xFFFFFFD0] =	vst v0;
	s2 =	sadd.s32 $0x80, s2  }
0xc8: {  	[tilespmem:s2+$0xFFFFFFC0] =	vst v0;
	p0 =	slt.u32 s3, $0xF8  }
0xc9: {  	[tilespmem:s2+$0x30] =	vst v0  }
.Ltmp4:
0xca: {  	[tilespmem:s2+$0x20] =	vst v0;
	(pc) =	sbr.rel @p0 .LBB2_11-.Ltmp4, $4  }
0xcb: {  	[tilespmem:s2+$0x10] =	vst v0  }
0xcc: {  	[tilespmem:s2+$0x0] =	vst v0  }
0xcd: {  	[tilespmem:s2+$0xFFFFFFF0] =	vst v0  }
0xce: {  	[tilespmem:s2+$0xFFFFFFE0] =	vst v0  }
0xcf: {  	s14 =	simm.s32 $0x0  }
0xd0: {  	s3 =	sand.u32 $0x7000, s14;
	s7 =	sand.u32 $0xC00, s14  }
0xd1: {  	[tilespmem:s2+$0xFFFFFFD0] =	vst v0;
	s2 =	sand.u32 $0x380, s14;
	s3 =	sor.u32 s7, s3  }
0xd2: {  	s2 =	sor.u32 s2, s3  }
0xd3: {  	v3 =	vld [tilespmem:s2+$0x8040]  }
0xd4: {  	v4 =	vld [tilespmem:s2+$0x8060]  }
0xd5: {  	v5 =	vld [tilespmem:s2+$0x8010]  }
0xd6: {  	v6 =	vld [tilespmem:s2+$0x40]  }
0xd7: {  	v7 =	vld [tilespmem:s2+$0x8050]  }
0xd8: {  	v12 =	vld [tilespmem:s2+$0x10]  }
0xd9: {  	v3 =	vmul.f32 $2.047999510e+03, v3  }
0xda: {  	v11 =	vld [tilespmem:s2+$0x8070];
	v4 =	vmul.f32 $2.047999510e+03, v4  }
0xdb: {  	v2 =	vmov s16;
	v9 =	vld [tilespmem:s2+$0x50];
	v5 =	vmul.f32 $2.047999510e+03, v5;
	v3 =	vtrunc.f32 v3  }
0xdc: {  	v13 =	vld [tilespmem:s2+$0x8020];
	vm0 =	veq.s32 v6, v2;
	v14 =	vmul.f32 $2.047999510e+03, v7;
	v3 =	vcvt.f32.s32 v3  }
0xdd: {  	v10 =	vld [tilespmem:s2+$0x60];
	vm1 =	veq.s32 v12, v2;
	v4 =	vtrunc.f32 v4;
	v5 =	vtrunc.f32 v5  }
0xde: {  	v8 =	vld [tilespmem:s2+$0x8030];
	v15 =	vcvt.f32.s32 v5;
	v7 =	vcvt.f32.s32 v4;
	v6 =	vsub.s32 $0xFFF, v3  }
0xdf: {  	v5 =	vsel vm0, v6, v3;
	v3 =	vtrunc.f32 v14;
	v6 =	vld [tilespmem:s2+$0x70];
	v14 =	vmul.f32 $2.047999510e+03, v11  }
0xe0: {  	s9 =	simm.s32 $0x400;
	v4 =	vld [tilespmem:s2+$0x0];
	vm0 =	veq.s32 v9, v2;
	v9 =	vsub.s32 $0xFFF, v15;
	v11 =	vcvt.f32.s32 v3  }
0xe1: {  	s11 =	simm.s32 $0x80;
	s7 =	simm.s32 $0x20;
	s3 =	simm.s32 $0x0;
	v12 =	vmul.f32 $2.047999510e+03, v13;
	v3 =	vsel vm1, v9, v15;
	v9 =	vld [tilespmem:s2+$0x20];
	v13 =	vtrunc.f32 v14  }
.LBB2_13:
0xe2: {  	s12 =	sand.u32 $0x7000, s11;
	s14 =	sand.u32 $0xC00, s9;
	s3 =	sadd.s32 $0x8, s3;
	v14 =	vld [tilespmem:s2+$0x30];
	v15 =	vsub.s32 $0xFFF, v11;
	vm1 =	veq.s32 v10, v2;
	v10 =	vcvt.f32.s32 v13  }
0xe3: {  	s12 =	sor.u32 s14, s12;
	s14 =	sand.u32 $0x380, s7;
	p0 =	slt.u32 s3, $0x7F8;
	v13 =	vld [tilespmem:s2+$0x8000];
	v12 =	vtrunc.f32 v12;
	v11 =	vsel vm0, v15, v11;
	v15 =	vsub.s32 $0xFFF, v7  }
0xe4: {  	s2 =	sor.u32 s14, s12;
	[tilespmem:v5+s22+$0x0] =	vst.idx.add.f32.msk $0xffff, v1;
	v5 =	vsel vm1, v15, v7;
	vm0 =	veq.s32 v6, v2;
	v6 =	vsub.s32 $0xFFF, v10  }
0xe5: {  	v8 =	vmul.f32 $2.047999510e+03, v8;
	v7 =	vcvt.f32.s32 v12;
	v15 =	vld [tilespmem:s2+$0x10];
	v6 =	vsel vm0, v6, v10  }
0xe6: {  	v12 =	vld [tilespmem:s2+$0x50]  }
0xe7: {  	v8 =	vtrunc.f32 v8;
	vm0 =	veq.s32 v9, v2;
	v9 =	vsub.s32 $0xFFF, v7;
	v10 =	vld [tilespmem:s2+$0x40]  }
0xe8: {  	v8 =	vcvt.f32.s32 v8;
	v7 =	vsel vm0, v9, v7;
	v13 =	vmul.f32 $2.047999510e+03, v13;
	[tilespmem:v11+s22+$0x0] =	vst.idx.add.f32.msk $0xffff, v1  }
0xe9: {  	v9 =	vld [tilespmem:s2+$0x8070]  }
0xea: {  	vm0 =	veq.s32 v14, v2;
	v14 =	vsub.s32 $0xFFF, v8;
	v11 =	vld [tilespmem:s2+$0x8040];
	v13 =	vtrunc.f32 v13  }
0xeb: {  	v8 =	vsel vm0, v14, v8;
	v13 =	vcvt.f32.s32 v13;
	[tilespmem:v5+s22+$0x0] =	vst.idx.add.f32.msk $0xffff, v1  }
0xec: {  	v5 =	vld [tilespmem:s2+$0x8060]  }
0xed: {  	vm0 =	veq.s32 v4, v2;
	v14 =	vld [tilespmem:s2+$0x8010];
	v4 =	vsub.s32 $0xFFF, v13  }
0xee: {  	v16 =	vld [tilespmem:s2+$0x8050];
	v4 =	vsel vm0, v4, v13  }
0xef: {  	v13 =	vld [tilespmem:s2+$0x8020];
	v11 =	vmul.f32 $2.047999510e+03, v11  }
0xf0: {  	[tilespmem:v8+s22+$0x0] =	vst.idx.add.f32.msk $0xffff, v1  }
0xf1: {  	v8 =	vtrunc.f32 v11;
	[tilespmem:v7+s22+$0x0] =	vst.idx.add.f32.msk $0xffff, v1  }
0xf2: {  	v5 =	vmul.f32 $2.047999510e+03, v5;
	v7 =	vmul.f32 $2.047999510e+03, v14;
	[tilespmem:v6+s22+$0x0] =	vst.idx.add.f32.msk $0xffff, v1  }
0xf3: {  	v6 =	vcvt.f32.s32 v8;
	[tilespmem:v4+s22+$0x0] =	vst.idx.add.f32.msk $0xffff, v1  }
0xf4: {  	vm0 =	veq.s32 v10, v2;
	v4 =	vtrunc.f32 v5;
	[tilespmem:v3+s22+$0x0] =	vst.idx.add.f32.msk $0xffff, v1  }
.Ltmp5:
0xf5: {  	v11 =	vmul.f32 $2.047999510e+03, v16;
	v3 =	vtrunc.f32 v7;
	v5 =	vsub.s32 $0xFFF, v6;
	v10 =	vld [tilespmem:s2+$0x60];
	(pc) =	sbr.rel @p0 .LBB2_13-.Ltmp5, $4  }
0xf6: {  	v7 =	vcvt.f32.s32 v4;
	v3 =	vcvt.f32.s32 v3;
	v5 =	vsel vm0, v5, v6;
	v8 =	vld [tilespmem:s2+$0x8030]  }
0xf7: {  	v14 =	vmul.f32 $2.047999510e+03, v9;
	v11 =	vtrunc.f32 v11;
	vm0 =	veq.s32 v12, v2;
	v6 =	vld [tilespmem:s2+$0x70]  }
0xf8: {  	vm1 =	veq.s32 v15, v2;
	v11 =	vcvt.f32.s32 v11;
	v9 =	vsub.s32 $0xFFF, v3;
	v4 =	vld [tilespmem:s2+$0x0]  }
0xf9: {  	s9 =	sadd.s32 $0x400, s9;
	s11 =	sadd.s32 $0x80, s11;
	s7 =	sadd.s32 $0x20, s7;
	v12 =	vmul.f32 $2.047999510e+03, v13;
	v13 =	vtrunc.f32 v14;
	v3 =	vsel vm1, v9, v3;
	v9 =	vld [tilespmem:s2+$0x20]  }
0xfa: {  	v14 =	vld [tilespmem:s2+$0x8000];
	_ =	sdelay $0x1  }
0xfb: {  	vm1 =	veq.s32 v10, v2  }
0xfc: {  	v56 =	vsub.s32 $0xFFF, v11;
	v13 =	vcvt.f32.s32 v13;
	v57 =	vsub.s32 $0xFFF, v7  }
0xfd: {  	v15 =	vld [tilespmem:s2+$0x30];
	v8 =	vmul.f32 $2.047999510e+03, v8;
	v12 =	vtrunc.f32 v12;
	v10 =	vsel vm0, v56, v11  }
0xfe: {  	v7 =	vsel vm1, v57, v7;
	v58 =	vcvt.f32.s32 v12;
	v14 =	vmul.f32 $2.047999510e+03, v14  }
0xff: {  	vm14 =	veq.s32 v6, v2;
	v62 =	vsub.s32 $0xFFF, v13;
	v8 =	vtrunc.f32 v8  }
0x100: {  	v63 =	vsel vm14, v62, v13;
	v8 =	vcvt.f32.s32 v8;
	v59 =	vtrunc.f32 v14  }
0x101: {  	vm12 =	veq.s32 v9, v2;
	v61 =	vsub.s32 $0xFFF, v58;
	v9 =	vcvt.f32.s32 v59  }
0x102: {  	[tilespmem:v5+s22+$0x0] =	vst.idx.add.f32.msk $0xffff, v1;
	vm13 =	veq.s32 v15, v2;
	v11 =	vsel vm12, v61, v58;
	v60 =	vsub.s32 $0xFFF, v8  }
0x103: {  	[tilespmem:v3+s22+$0x0] =	vst.idx.add.f32.msk $0xffff, v1;
	vm15 =	veq.s32 v4, v2;
	v8 =	vsel vm13, v60, v8;
	v2 =	vsub.s32 $0xFFF, v9  }
0x104: {  	s14 =	sshll.u32 s31, $0xD;
	[tilespmem:v10+s22+$0x0] =	vst.idx.add.f32.msk $0xffff, v1;
	v2 =	vsel vm15, v2, v9  }
0x105: {  	s3 =	sshll.u32 s31, $0x8;
	s2 =	sand.u32 $0x18000, s14;
	[tilespmem:v7+s22+$0x0] =	vst.idx.add.f32.msk $0xffff, v1  }
0x106: {  	s3 =	sand.u32 $0x300, s3;
	s2 =	sadd.s32 s5, s2;
	[tilespmem:v63+s22+$0x0] =	vst.idx.add.f32.msk $0xffff, v1  }
0x107: {  	s3 =	sor.u32 s3, s2;
	[tilespmem:v11+s22+$0x0] =	vst.idx.add.f32.msk $0xffff, v1  }
0x108: {  	s3 =	sshrl.u32 s3, $0x3;
	[tilespmem:v8+s22+$0x0] =	vst.idx.add.f32.msk $0xffff, v1  }
0x109: {  	s16 =	smin.u32 s16, $0x11;
	s3 =	sadd.s32 s4, s3;
	[tilespmem:v2+s22+$0x0] =	vst.idx.add.f32.msk $0xffff, v1  }
0x10a: {  	[hbm4b:s3+s23] =	stream.strided.scatter [tilespmem:s22], [sflag:$0x3], $0x1000, s24, s23, $0x38;
	[tilespmem:$0x1A000] =	vst v63  }
0x10b: {  	s3 =	sshll.u32 s16, $0x12  }
0x10c: {  	_ =	swait.ge [sflag:s25], $0x8000;
	s3 =	sadd.s32 s13, s3  }
0x10d: {  	[sflag:s25] =	ssyncset.done $0x0;
	s3 =	sshrl.u32 s3, $0x3  }
0x10e: {  	[sflag:s25] =	ssyncadd.s32 $0xFFFF8000;
	s3 =	sadd.s32 s1, s3  }
0x10f: {  	[tilespmem:s19], [sflag:$0x1] =	stream.strided.gather [hbm4b:s3+s15], $0x8000, s18, s15, $0x38;
	[tilespmem:$0x1A000] =	vst v63  }
0x110: {  	_ =	swait.ge [sflag:s29], $0x1000  }
0x111: {  	[sflag:s29] =	ssyncset.done $0x0  }
0x112: {  	s3 =	simm.s32 $0x19040;
	[sflag:s29] =	ssyncadd.s32 $0xFFFFF000  }
0x113: {  	[tilespmem:s3+$0xFFFFFFC0] =	vst v0  }
0x114: {  	[tilespmem:s3+$0x30] =	vst v0  }
0x115: {  	[tilespmem:s3+$0x20] =	vst v0  }
0x116: {  	[tilespmem:s3+$0x10] =	vst v0  }
0x117: {  	[tilespmem:s3+$0x0] =	vst v0  }
0x118: {  	[tilespmem:s3+$0xFFFFFFF0] =	vst v0  }
0x119: {  	s7 =	simm.s32 $0x0;
	[tilespmem:s3+$0xFFFFFFE0] =	vst v0  }
.LBB2_15:
0x11a: {  	s7 =	sadd.s32 $0x8, s7;
	[tilespmem:s3+$0xFFFFFFD0] =	vst v0;
	s3 =	sadd.s32 $0x80, s3  }
0x11b: {  	[tilespmem:s3+$0xFFFFFFC0] =	vst v0;
	p0 =	slt.u32 s7, $0xF8  }
0x11c: {  	[tilespmem:s3+$0x30] =	vst v0  }
.Ltmp6:
0x11d: {  	[tilespmem:s3+$0x20] =	vst v0;
	(pc) =	sbr.rel @p0 .LBB2_15-.Ltmp6, $4  }
0x11e: {  	[tilespmem:s3+$0x10] =	vst v0  }
0x11f: {  	[tilespmem:s3+$0x0] =	vst v0  }
0x120: {  	[tilespmem:s3+$0xFFFFFFF0] =	vst v0  }
0x121: {  	[tilespmem:s3+$0xFFFFFFE0] =	vst v0  }
0x122: {  	s16 =	simm.s32 $0x0  }
0x123: {  	s7 =	sand.u32 $0x7000, s16;
	s9 =	sand.u32 $0xC00, s16  }
0x124: {  	[tilespmem:s3+$0xFFFFFFD0] =	vst v0;
	s3 =	sand.u32 $0x380, s16;
	s7 =	sor.u32 s9, s7  }
0x125: {  	s16 =	sor.u32 s3, s7  }
0x126: {  	v3 =	vld [tilespmem:s16+$0x10040]  }
0x127: {  	v4 =	vld [tilespmem:s16+$0x10060]  }
0x128: {  	v5 =	vld [tilespmem:s16+$0x10010]  }
0x129: {  	v6 =	vld [tilespmem:s16+$0x40]  }
0x12a: {  	v7 =	vld [tilespmem:s16+$0x10050]  }
0x12b: {  	v12 =	vld [tilespmem:s16+$0x10]  }
0x12c: {  	v3 =	vmul.f32 $2.047999510e+03, v3  }
0x12d: {  	v11 =	vld [tilespmem:s16+$0x10070];
	v4 =	vmul.f32 $2.047999510e+03, v4  }
0x12e: {  	v2 =	vmov s0;
	v9 =	vld [tilespmem:s16+$0x50];
	v5 =	vmul.f32 $2.047999510e+03, v5;
	v3 =	vtrunc.f32 v3  }
0x12f: {  	v13 =	vld [tilespmem:s16+$0x10020];
	vm0 =	veq.s32 v6, v2;
	v14 =	vmul.f32 $2.047999510e+03, v7;
	v3 =	vcvt.f32.s32 v3  }
0x130: {  	v10 =	vld [tilespmem:s16+$0x60];
	vm1 =	veq.s32 v12, v2;
	v4 =	vtrunc.f32 v4;
	v5 =	vtrunc.f32 v5  }
0x131: {  	v8 =	vld [tilespmem:s16+$0x10030];
	v15 =	vcvt.f32.s32 v5;
	v7 =	vcvt.f32.s32 v4;
	v6 =	vsub.s32 $0xFFF, v3  }
0x132: {  	v5 =	vsel vm0, v6, v3;
	v3 =	vtrunc.f32 v14;
	v6 =	vld [tilespmem:s16+$0x70];
	v14 =	vmul.f32 $2.047999510e+03, v11  }
0x133: {  	s11 =	simm.s32 $0x80;
	v4 =	vld [tilespmem:s16+$0x0];
	vm0 =	veq.s32 v9, v2;
	v9 =	vsub.s32 $0xFFF, v15;
	v11 =	vcvt.f32.s32 v3  }
0x134: {  	s9 =	simm.s32 $0x400;
	s3 =	simm.s32 $0x0;
	s7 =	simm.s32 $0x20;
	v12 =	vmul.f32 $2.047999510e+03, v13;
	v3 =	vsel vm1, v9, v15;
	v9 =	vld [tilespmem:s16+$0x20];
	v13 =	vtrunc.f32 v14  }
.LBB2_17:
0x135: {  	s12 =	sand.u32 $0x7000, s11;
	s14 =	sand.u32 $0xC00, s9;
	s3 =	sadd.s32 $0x8, s3;
	v14 =	vld [tilespmem:s16+$0x30];
	v15 =	vsub.s32 $0xFFF, v11;
	vm1 =	veq.s32 v10, v2;
	v10 =	vcvt.f32.s32 v13  }
0x136: {  	s12 =	sor.u32 s14, s12;
	s14 =	sand.u32 $0x380, s7;
	p0 =	slt.u32 s3, $0x7F8;
	v13 =	vld [tilespmem:s16+$0x10000];
	v12 =	vtrunc.f32 v12;
	v11 =	vsel vm0, v15, v11;
	v15 =	vsub.s32 $0xFFF, v7  }
0x137: {  	s16 =	sor.u32 s14, s12;
	[tilespmem:v5+s26+$0x0] =	vst.idx.add.f32.msk $0xffff, v1;
	v5 =	vsel vm1, v15, v7;
	vm0 =	veq.s32 v6, v2;
	v6 =	vsub.s32 $0xFFF, v10  }
0x138: {  	v8 =	vmul.f32 $2.047999510e+03, v8;
	v7 =	vcvt.f32.s32 v12;
	v15 =	vld [tilespmem:s16+$0x10];
	v6 =	vsel vm0, v6, v10  }
0x139: {  	v12 =	vld [tilespmem:s16+$0x50]  }
0x13a: {  	v8 =	vtrunc.f32 v8;
	vm0 =	veq.s32 v9, v2;
	v9 =	vsub.s32 $0xFFF, v7;
	v10 =	vld [tilespmem:s16+$0x40]  }
0x13b: {  	v8 =	vcvt.f32.s32 v8;
	v7 =	vsel vm0, v9, v7;
	v13 =	vmul.f32 $2.047999510e+03, v13;
	[tilespmem:v11+s26+$0x0] =	vst.idx.add.f32.msk $0xffff, v1  }
0x13c: {  	v9 =	vld [tilespmem:s16+$0x10070]  }
0x13d: {  	vm0 =	veq.s32 v14, v2;
	v14 =	vsub.s32 $0xFFF, v8;
	v11 =	vld [tilespmem:s16+$0x10040];
	v13 =	vtrunc.f32 v13  }
0x13e: {  	v8 =	vsel vm0, v14, v8;
	v13 =	vcvt.f32.s32 v13;
	[tilespmem:v5+s26+$0x0] =	vst.idx.add.f32.msk $0xffff, v1  }
0x13f: {  	v5 =	vld [tilespmem:s16+$0x10060]  }
0x140: {  	vm0 =	veq.s32 v4, v2;
	v14 =	vld [tilespmem:s16+$0x10010];
	v4 =	vsub.s32 $0xFFF, v13  }
0x141: {  	v16 =	vld [tilespmem:s16+$0x10050];
	v4 =	vsel vm0, v4, v13  }
0x142: {  	v13 =	vld [tilespmem:s16+$0x10020];
	v11 =	vmul.f32 $2.047999510e+03, v11  }
0x143: {  	[tilespmem:v8+s26+$0x0] =	vst.idx.add.f32.msk $0xffff, v1  }
0x144: {  	v8 =	vtrunc.f32 v11;
	[tilespmem:v7+s26+$0x0] =	vst.idx.add.f32.msk $0xffff, v1  }
0x145: {  	v5 =	vmul.f32 $2.047999510e+03, v5;
	v7 =	vmul.f32 $2.047999510e+03, v14;
	[tilespmem:v6+s26+$0x0] =	vst.idx.add.f32.msk $0xffff, v1  }
0x146: {  	v6 =	vcvt.f32.s32 v8;
	[tilespmem:v4+s26+$0x0] =	vst.idx.add.f32.msk $0xffff, v1  }
0x147: {  	vm0 =	veq.s32 v10, v2;
	v4 =	vtrunc.f32 v5;
	[tilespmem:v3+s26+$0x0] =	vst.idx.add.f32.msk $0xffff, v1  }
.Ltmp7:
0x148: {  	v11 =	vmul.f32 $2.047999510e+03, v16;
	v3 =	vtrunc.f32 v7;
	v5 =	vsub.s32 $0xFFF, v6;
	v10 =	vld [tilespmem:s16+$0x60];
	(pc) =	sbr.rel @p0 .LBB2_17-.Ltmp7, $4  }
0x149: {  	v7 =	vcvt.f32.s32 v4;
	v3 =	vcvt.f32.s32 v3;
	v5 =	vsel vm0, v5, v6;
	v8 =	vld [tilespmem:s16+$0x10030]  }
0x14a: {  	v14 =	vmul.f32 $2.047999510e+03, v9;
	v11 =	vtrunc.f32 v11;
	vm0 =	veq.s32 v12, v2;
	v6 =	vld [tilespmem:s16+$0x70]  }
0x14b: {  	vm1 =	veq.s32 v15, v2;
	v11 =	vcvt.f32.s32 v11;
	v9 =	vsub.s32 $0xFFF, v3;
	v4 =	vld [tilespmem:s16+$0x0]  }
0x14c: {  	s9 =	sadd.s32 $0x400, s9;
	s11 =	sadd.s32 $0x80, s11;
	s7 =	sadd.s32 $0x20, s7;
	v12 =	vmul.f32 $2.047999510e+03, v13;
	v13 =	vtrunc.f32 v14;
	v3 =	vsel vm1, v9, v3;
	v9 =	vld [tilespmem:s16+$0x20]  }
0x14d: {  	v14 =	vld [tilespmem:s16+$0x10000];
	_ =	sdelay $0x1  }
0x14e: {  	vm1 =	veq.s32 v10, v2  }
0x14f: {  	v56 =	vsub.s32 $0xFFF, v11;
	v13 =	vcvt.f32.s32 v13;
	v57 =	vsub.s32 $0xFFF, v7  }
0x150: {  	v15 =	vld [tilespmem:s16+$0x30];
	v8 =	vmul.f32 $2.047999510e+03, v8;
	v12 =	vtrunc.f32 v12;
	v10 =	vsel vm0, v56, v11  }
0x151: {  	v7 =	vsel vm1, v57, v7;
	v58 =	vcvt.f32.s32 v12;
	v14 =	vmul.f32 $2.047999510e+03, v14  }
0x152: {  	vm14 =	veq.s32 v6, v2;
	v62 =	vsub.s32 $0xFFF, v13;
	v8 =	vtrunc.f32 v8  }
0x153: {  	v63 =	vsel vm14, v62, v13;
	v8 =	vcvt.f32.s32 v8;
	v59 =	vtrunc.f32 v14  }
0x154: {  	vm12 =	veq.s32 v9, v2;
	v61 =	vsub.s32 $0xFFF, v58;
	v9 =	vcvt.f32.s32 v59  }
0x155: {  	[tilespmem:v5+s26+$0x0] =	vst.idx.add.f32.msk $0xffff, v1;
	vm13 =	veq.s32 v15, v2;
	v11 =	vsel vm12, v61, v58;
	v60 =	vsub.s32 $0xFFF, v8  }
0x156: {  	[tilespmem:v3+s26+$0x0] =	vst.idx.add.f32.msk $0xffff, v1;
	vm15 =	veq.s32 v4, v2;
	v8 =	vsel vm13, v60, v8;
	v2 =	vsub.s32 $0xFFF, v9  }
0x157: {  	s31 =	sadd.s32 $0x1, s31;
	[tilespmem:v10+s26+$0x0] =	vst.idx.add.f32.msk $0xffff, v1;
	v2 =	vsel vm15, v2, v9  }
0x158: {  	s0 =	sshll.u32 s0, $0x7;
	p0 =	sne.s32 s31, $0xA;
	[tilespmem:v7+s26+$0x0] =	vst.idx.add.f32.msk $0xffff, v1  }
.Ltmp8:
0x159: {  	s0 =	sand.u32 $0x380, s0;
	[tilespmem:v63+s26+$0x0] =	vst.idx.add.f32.msk $0xffff, v1;
	(pc) =	sbr.rel @p0 .LBB2_10-.Ltmp8, $4  }
0x15a: {  	s0 =	sor.u32 s2, s0;
	[tilespmem:v11+s26+$0x0] =	vst.idx.add.f32.msk $0xffff, v1  }
0x15b: {  	s0 =	sshrl.u32 s0, $0x3;
	[tilespmem:v8+s26+$0x0] =	vst.idx.add.f32.msk $0xffff, v1  }
0x15c: {  	s0 =	sadd.s32 s4, s0;
	[tilespmem:v2+s26+$0x0] =	vst.idx.add.f32.msk $0xffff, v1  }
0x15d: {  	[hbm4b:s0+s23] =	stream.strided.scatter [tilespmem:s26], [sflag:$0x4], $0x1000, s24, s23, $0x38;
	[tilespmem:$0x1A000] =	vst v63  }
0x15e: {  	_ =	swait.ge [sflag:s20], $0x8000  }
0x15f: {  	[sflag:s20] =	ssyncset.done $0x0  }
0x160: {  	[sflag:s20] =	ssyncadd.s32 $0xFFFF8000  }
0x161: {  	_ =	swait.ge [sflag:s28], $0x1000  }
0x162: {  	[sflag:s28] =	ssyncset.done $0x0  }
0x163: {  	[sflag:s28] =	ssyncadd.s32 $0xFFFFF000  }
0x164: {  	_ =	swait.ge [sflag:s29], $0x1000  }
0x165: {  	s30 =	sadd.s32 $0x1, s30;
	s0 =	rddreg [dreg:$0x8]  }
0x166: {  	p0 =	sne.s32 s30, s0  }
.Ltmp9:
0x167: {  	_ = 	snop;
	(pc) =	sbr.rel @p0 .LBB2_1-.Ltmp9, $3  }
0x168: {  	_ =	sdelay $0x1  }
0x169: {  	[sflag:s29] =	ssyncset.done $0x0  }
0x16a: {  	[sflag:s29] =	ssyncadd.s32 $0xFFFFF000  }
0x16b: {  	_ =	sfence.sel $0x180000  }
0x16c: {  	[bflag:$0x0] =	sbarrier.arrive $0xFFFF  }
0x16d: {  	_ =	strace $0x90000047  }
0x16e: {  	s0 =	stileid.u32;
	[bflag:$0x2] =	sbarrier.arrive $0xFFFF  }
0x16f: {  	p0 =	sne.s32 s0, $0x0;
	s0 =	rddreg [dreg:$0x3]  }
0x170: {  	s0 =	sadd.s32 @!p0 $0x100000, s0  }
0x171: {  	[sflag:s0] =	ssyncadd.tile.s32 @!p0 $0x1;
	_ =	shalt  }
.Lfunc_end2:
_tile_overlayer_lowered:
.L_overlay_start_2:
0x172: {  	(tag) =	ssettag $0x2  }
0x173: {  	s0 =	rddreg [dreg:$0x0];
	s2 =	stileid.u32  }
0x174: {  	s1 =	rddreg [dreg:$0x1];
	p0 =	sne.s32 s2, $0x0  }
0x175: {  	s3 =	rddreg [dreg:$0x2];
	[bflag:$0x3] =	sbarrier.arrive $0xFFFF;
	s2 =	simm.s32 @!p0 $0x1C05  }
0x176: {  	[timem:s3], [sflag:s2] =	dma.local @!p0 [hbm:s0], s1  }
0x177: {  	s0 =	simm.s32 @!p0 $0x5  }
0x178: {  	_ =	swait.ge @!p0 [sflag:s0], s1  }
0x179: {  	s1 =	ssub.s32 @!p0 $0x0, s1;
	[sflag:s0] =	ssyncset.done @!p0 $0x0  }
0x17a: {  	[sflag:s0] =	ssyncadd.s32 @!p0 s1  }
0x17b: {  	[bflag:$0x3] =	sbarrier.arrive $0xFFFF  }
0x17c: {  	_ =	shalt  }

</sc_bundles>
